<compile_context>
chip_gen: v7x
topology: tpu7x:2x2x1
jax: 0.10.2.dev20260603
libtpu: 0.0.44.dev20260713+nightly
codegen_flags: <defaults>
</compile_context>

<pallas_src>
import functools

import jax
import jax.numpy as jnp
import numpy as np
from jax import lax
from jax.experimental import pallas as pl
from jax.experimental.pallas import tpu as pltpu
from jax.experimental.pallas import tpu_sc as plsc

_VOCAB = 30522
_MASK_ID = 103
_RATE = 0.15
_MAX_SEL = 614
_B = 16
_S = 4096
_L = 16
_PAD = 640


def _tf2x32(k1, k2, x0, x1):
    rot = [np.uint32(r) for r in (13, 15, 26, 6, 17, 29, 16, 24)]
    ks = [np.uint32(k1), np.uint32(k2),
          np.uint32(k1 ^ k2 ^ np.uint32(0x1BD11BDA))]
    x = [x0.astype(np.uint32) + ks[0], x1.astype(np.uint32) + ks[1]]

    def rounds(rs):
        for r in rs:
            x[0] = x[0] + x[1]
            x[1] = (x[1] << r) | (x[1] >> (np.uint32(32) - r))
            x[1] = x[0] ^ x[1]

    with np.errstate(over="ignore"):
        rounds(rot[:4]); x[0] += ks[1]; x[1] += ks[2] + np.uint32(1)
        rounds(rot[4:]); x[0] += ks[2]; x[1] += ks[0] + np.uint32(2)
        rounds(rot[:4]); x[0] += ks[0]; x[1] += ks[1] + np.uint32(3)
        rounds(rot[4:]); x[0] += ks[1]; x[1] += ks[2] + np.uint32(4)
        rounds(rot[:4]); x[0] += ks[2]; x[1] += ks[0] + np.uint32(5)
    return x[0], x[1]


def _iota2x32(shape):
    i = np.arange(int(np.prod(shape)), dtype=np.uint64)
    return ((i >> np.uint64(32)).astype(np.uint32).reshape(shape),
            (i & np.uint64(0xFFFFFFFF)).astype(np.uint32).reshape(shape))


def _split_key(key, num):
    b1, b2 = _tf2x32(key[0], key[1], *_iota2x32((num,)))
    return np.stack([b1, b2], axis=1)


def _random_bits(key, shape):
    b1, b2 = _tf2x32(key[0], key[1], *_iota2x32(shape))
    return b1 ^ b2


def _uniform01(key, shape):
    bits = _random_bits(key, shape)
    fb = (bits >> np.uint32(9)) | np.uint32(0x3F800000)
    return fb.view(np.float32) - np.float32(1.0)


def _randint(key, shape, span):
    ks = _split_key(key, 2)
    hi, lo = _random_bits(ks[0], shape), _random_bits(ks[1], shape)
    span = np.uint32(span)
    with np.errstate(over="ignore"):
        mult = np.uint32(65536) % span
        mult = (mult * mult) % span
        off = ((hi % span) * mult + lo % span) % span
    return off.astype(np.int32)


@functools.lru_cache(maxsize=None)
def _consts():
    k_sel, k_choice, k_rand = _split_key(np.array([0, 42], np.uint32), 3)
    scores = _uniform01(k_sel, (_B, _S))
    perm = np.argsort(-scores, axis=1, kind="stable").astype(np.int32)
    r = _uniform01(k_choice, (_B, _MAX_SEL))
    rand_tok = _randint(k_rand, (_B, _MAX_SEL), _VOCAB)
    nvb = np.where(r < np.float32(0.8), _MASK_ID,
                   np.where(r < np.float32(0.9), rand_tok, -1)).astype(np.int32)
    nvb = np.pad(nvb, ((0, 0), (0, _PAD - _MAX_SEL)))
    skey = scores.view(np.int32)
    return perm, nvb, skey


_NCH = _S // _L
_NO = _NCH // _L


def _masker_body(inp_hbm, perm_hbm, nvb_hbm, skey_hbm,
                 out0_hbm, out1_hbm, out2_hbm,
                 inp_v, perm_v, selp_v, skey_v, nvb_v, outrow_v, pos_v, ids_v,
                 cnt_v, tmp_v):
    c = lax.axis_index("c")
    s = lax.axis_index("s")

    @pl.when(c == 0)
    def _():
        b = s
        pltpu.sync_copy(inp_hbm.at[b], inp_v)
        pltpu.sync_copy(perm_hbm.at[b], perm_v)
        pltpu.sync_copy(nvb_hbm.at[b], nvb_v)
        pltpu.sync_copy(skey_hbm.at[b], skey_v)

        iota = lax.iota(jnp.int32, _L)
        lane0 = iota == 0


        @plsc.parallel_loop(0, _NCH, unroll=8)
        def _pa1(j):
            idx = perm_v[pl.ds(j * _L, _L)]
            tp = plsc.load_gather(inp_v, [idx])
            sb = (tp != 0) & (tp != 101) & (tp != 102)
            selp_v[pl.ds(j * _L, _L)] = sb.astype(jnp.int32)
            cpc = plsc.all_reduce_population_count(sb)
            plsc.store_scatter(cnt_v, [jnp.broadcast_to(j, (_L,))], cpc,
                               mask=lane0)

        def pa2(i, cnt):
            v = cnt_v[pl.ds(i * _L, _L)]
            cs = plsc.cumsum(v)
            cnt_v[pl.ds(i * _L, _L)] = cs - v + cnt
            return cnt + cs[_L - 1]

        ns = lax.fori_loop(0, _NO, pa2, jnp.int32(0))
        k1 = (jnp.float32(_RATE) * ns.astype(jnp.float32)).astype(jnp.int32)
        kk = jnp.minimum(jnp.minimum(jnp.int32(_MAX_SEL), k1), ns)

        tmp_v[pl.ds(0, _L)] = jnp.where(
            lane0, jnp.int32(0x7FFFFFFF),
            jnp.where(iota == 1, jnp.int32(-1), jnp.int32(0)))

        @pl.when(kk > 0)
        def _():
            def srch(i, acc):
                v = cnt_v[pl.ds(i * _L, _L)]
                cm = v <= (kk - 1)
                return acc + plsc.all_reduce_population_count(cm)[0]

            jstar = lax.fori_loop(0, _NO, srch, jnp.int32(0)) - 1
            base = cnt_v[pl.ds(jstar, _L)][0]
            sf = selp_v[pl.ds(jstar * _L, _L)]
            cs = plsc.cumsum(sf)
            hit = (sf == 1) & ((base + cs) == kk)
            idx = perm_v[pl.ds(jstar * _L, _L)]
            keyv = plsc.load_gather(skey_v, [idx])
            plsc.store_scatter(tmp_v, [jnp.broadcast_to(0, (_L,))], keyv,
                               mask=hit)
            plsc.store_scatter(tmp_v, [jnp.broadcast_to(1, (_L,))], idx,
                               mask=hit)

        tv = tmp_v[pl.ds(0, _L)]
        pkey = tv[0]
        ppos = tv[1]

        @plsc.parallel_loop(0, _PAD // _L, unroll=8)
        def _pz(i):
            zero = jnp.zeros((_L,), jnp.int32)
            pos_v[pl.ds(i * _L, _L)] = zero
            ids_v[pl.ds(i * _L, _L)] = zero

        @plsc.parallel_loop(0, _NCH, unroll=8)
        def _pb1(i):
            off = i * _L
            tt = inp_v[pl.ds(off, _L)]
            sb = (tt != 0) & (tt != 101) & (tt != 102)
            kb = skey_v[pl.ds(off, _L)]
            posv = iota + off
            m = sb & ((kb > pkey) | ((kb == pkey) & (posv <= ppos)))
            selp_v[pl.ds(off, _L)] = m.astype(jnp.int32)
            cpc = plsc.all_reduce_population_count(m)
            plsc.store_scatter(cnt_v, [jnp.broadcast_to(i, (_L,))], cpc,
                               mask=lane0)

        def pb2(i, cnt):
            v = cnt_v[pl.ds(i * _L, _L)]
            cs = plsc.cumsum(v)
            cnt_v[pl.ds(i * _L, _L)] = cs - v + cnt
            return cnt + cs[_L - 1]

        lax.fori_loop(0, _NO, pb2, jnp.int32(0))

        @plsc.parallel_loop(0, _NCH, unroll=4)
        def _pb3(i):
            off = i * _L
            sd = selp_v[pl.ds(off, _L)]
            m = sd == 1
            cs = plsc.cumsum(sd)
            slot = cs - sd + cnt_v[pl.ds(i, _L)][0]
            tt = inp_v[pl.ds(off, _L)]
            posv = iota + off
            plsc.store_scatter(pos_v, [slot], posv, mask=m)
            plsc.store_scatter(ids_v, [slot], tt, mask=m)
            nv = plsc.load_gather(nvb_v, [slot], mask=m)
            outc = jnp.where(m & (nv != -1), nv, tt)
            outrow_v[pl.ds(off, _L)] = outc

        pltpu.sync_copy(outrow_v, out0_hbm.at[b])
        pltpu.sync_copy(pos_v, out1_hbm.at[b])
        pltpu.sync_copy(ids_v, out2_hbm.at[b])


@jax.jit
def _masker(inputs, perm, nvb, skey):
    mesh = plsc.VectorSubcoreMesh(core_axis_name="c", subcore_axis_name="s", num_cores=1)
    fn = pl.kernel(
        _masker_body,
        mesh=mesh,
        compiler_params=pltpu.CompilerParams(needs_layout_passes=False),
        out_type=[
            jax.ShapeDtypeStruct((_B, _S), jnp.int32),
            jax.ShapeDtypeStruct((_B, _PAD), jnp.int32),
            jax.ShapeDtypeStruct((_B, _PAD), jnp.int32),
        ],
        scratch_types=[
            pltpu.VMEM((_S,), jnp.int32),
            pltpu.VMEM((_S,), jnp.int32),
            pltpu.VMEM((_S,), jnp.int32),
            pltpu.VMEM((_S,), jnp.int32),
            pltpu.VMEM((_PAD,), jnp.int32),
            pltpu.VMEM((_S,), jnp.int32),
            pltpu.VMEM((_PAD,), jnp.int32),
            pltpu.VMEM((_PAD,), jnp.int32),
            pltpu.VMEM((_NCH + _L,), jnp.int32),
            pltpu.VMEM((_L,), jnp.int32),
        ],
    )
    return fn(inputs, perm, nvb, skey)


def kernel(inputs):
    perm, nvb, skey = _consts()
    out0, out1p, out2p = _masker(inputs, jnp.asarray(perm), jnp.asarray(nvb),
                                 jnp.asarray(skey))
    return out0, out1p[:, :_MAX_SEL], out2p[:, :_MAX_SEL]

# --- scband reference (transcript-rebuilt; emitter-appended) ---
"""Pipeline reference for scband-masked-language-model-masker-81312320848332 (READ-ONLY COPY).

The authoritative reference and input builder live on the scoring server;
editing this copy changes nothing except your own understanding.
"""

import jax, jax.numpy as jnp
import numpy as np

VOCAB = 30522
MASK_ID = 103
RATE = 0.15
MAX_SEL = 614
MASK_RATE = 0.8
RANDOM_RATE = 0.1
UNSELECTABLE = (0, 101, 102)


def setup_inputs(seed: int = 0) -> dict:
    key = jax.random.key(seed)
    inputs = jax.random.randint(key, (16, 4096), 0, VOCAB, dtype=jnp.int32)
    return {"inputs": inputs}


def reference(inputs):
    B, S = inputs.shape
    key = jax.random.key(42)
    k_sel, k_choice, k_rand = jax.random.split(key, 3)

    # --- RandomItemSelector: tokens with unselectable ids cannot be chosen ---
    unsel = jnp.array(UNSELECTABLE, dtype=inputs.dtype)
    selectable = ~jnp.any(inputs[..., None] == unsel[None, None, :], axis=-1)

    # random scores; non-selectable positions get -1 so they lose top_k
    scores = jax.random.uniform(k_sel, (B, S))
    scores = jnp.where(selectable, scores, -1.0)
    _, top_idx = jax.lax.top_k(scores, MAX_SEL)

    num_selectable = jnp.sum(selectable.astype(jnp.int32), axis=1)
    num_to_select = jnp.minimum(
        jnp.minimum(MAX_SEL, (RATE * num_selectable).astype(jnp.int32)),
        num_selectable,
    )
    rank = jnp.arange(MAX_SEL)
    sel_mask = rank[None, :] < num_to_select[:, None]

    # sort selected positions ascending (tf_text returns sorted positions);
    # pad unselected slots with S then clip for safe gathers
    pos_padded = jnp.where(sel_mask, top_idx, S)
    pos_sorted = jnp.sort(pos_padded, axis=1)
    valid_sel = pos_sorted < S
    pos_clipped = jnp.minimum(pos_sorted, S - 1)

    orig_ids = jnp.take_along_axis(inputs, pos_clipped, axis=1)
    masked_ids = jnp.where(valid_sel, orig_ids, 0)

    # --- MaskValuesChooser: 80% [MASK], 10% random token, 10% keep ---
    r = jax.random.uniform(k_choice, (B, MAX_SEL))
    rand_tok = jax.random.randint(k_rand, (B, MAX_SEL), 0, VOCAB, dtype=inputs.dtype)
    new_vals = jnp.where(
        r < MASK_RATE,
        jnp.asarray(MASK_ID, dtype=inputs.dtype),
        jnp.where(r < MASK_RATE + RANDOM_RATE, rand_tok, orig_ids),
    ).astype(inputs.dtype)

    # scatter: invalid slots rewrite the original value (no-op)
    write_vals = jnp.where(valid_sel, new_vals, orig_ids)
    rows = jnp.broadcast_to(jnp.arange(B)[:, None], (B, MAX_SEL))
    masked_input_ids = inputs.at[rows, pos_clipped].set(write_vals)

    masked_positions = jnp.where(valid_sel, pos_sorted, 0)
    return masked_input_ids, masked_positions, masked_ids

if __name__ == "__main__":
    import jax
    _d = setup_inputs()
    print(jax.jit(kernel)(*tuple(_d.values())))

</pallas_src>

<mosaic_0001>
#map = affine_map<(d0, d1) -> (0, 0)>
module attributes {stable_mosaic.version = 14 : i64} {
  func.func @_masker_body(%arg0: i32, %arg1: i32, %arg2: memref<16x4096xi32, #tpu.memory_space<hbm>>, %arg3: memref<16x4096xi32, #tpu.memory_space<hbm>>, %arg4: memref<16x640xi32, #tpu.memory_space<hbm>>, %arg5: memref<16x4096xi32, #tpu.memory_space<hbm>>, %arg6: memref<16x4096xi32, #tpu.memory_space<hbm>>, %arg7: memref<16x640xi32, #tpu.memory_space<hbm>>, %arg8: memref<16x640xi32, #tpu.memory_space<hbm>>, %arg9: memref<4096xi32, #tpu.memory_space<vmem>>, %arg10: memref<4096xi32, #tpu.memory_space<vmem>>, %arg11: memref<4096xi32, #tpu.memory_space<vmem>>, %arg12: memref<4096xi32, #tpu.memory_space<vmem>>, %arg13: memref<640xi32, #tpu.memory_space<vmem>>, %arg14: memref<4096xi32, #tpu.memory_space<vmem>>, %arg15: memref<640xi32, #tpu.memory_space<vmem>>, %arg16: memref<640xi32, #tpu.memory_space<vmem>>, %arg17: memref<272xi32, #tpu.memory_space<vmem>>, %arg18: memref<16xi32, #tpu.memory_space<vmem>>) attributes {dimension_semantics = [#tpu.dimension_semantics<core_parallel>, #tpu.dimension_semantics<subcore_parallel>], iteration_bounds = array<i64: 1, 16>, scalar_prefetch = 0 : i64, scratch_operands = 10 : i64, tpu.core_type = #tpu.core_type<sc_vector_subcore>, window_params = [{transform_indices = #map}, {transform_indices = #map}, {transform_indices = #map}, {transform_indices = #map}, {transform_indices = #map}, {transform_indices = #map}, {transform_indices = #map}]} {
    %eq3A = arith.constant 0 : i32
    %eq3A_0 = arith.cmpi eq, %arg0, %eq3A : i32
    %convert_element_type3A = arith.extui %eq3A_0 : i1 to i32
    %cond3A = arith.constant 0 : i32
    %cond3A_1 = arith.cmpi ne, %convert_element_type3A, %cond3A : i32
    scf.if %cond3A_1 {
      "tpu.region"() ({
        %run_scoped3A = tpu.sem_alloc : memref<!tpu.dma_semaphore, #tpu.memory_space<semaphore_mem>>
        %dma_start3A = arith.constant 0 : i32
        %dma_start3A_50 = tpu.memref_slice %arg2[%arg1, %dma_start3A] : memref<16x4096xi32, #tpu.memory_space<hbm>> -> memref<1x4096xi32, #tpu.memory_space<hbm>>
        %dma_start3A_51 = tpu.memref_squeeze %dma_start3A_50 : memref<1x4096xi32, #tpu.memory_space<hbm>> -> memref<4096xi32, #tpu.memory_space<hbm>>
        %dma_start3A_52 = arith.constant 0 : i32
        %dma_start3A_53 = tpu.memref_slice %arg2[%arg1, %dma_start3A_52] : memref<16x4096xi32, #tpu.memory_space<hbm>> -> memref<1x4096xi32, #tpu.memory_space<hbm>>
        %dma_start3A_54 = tpu.memref_squeeze %dma_start3A_53 : memref<1x4096xi32, #tpu.memory_space<hbm>> -> memref<4096xi32, #tpu.memory_space<hbm>>
        tpu.enqueue_dma source(%dma_start3A_54 : memref<4096xi32, #tpu.memory_space<hbm>>) target(%arg9 : memref<4096xi32, #tpu.memory_space<vmem>>) target_semaphore(%run_scoped3A : memref<!tpu.dma_semaphore, #tpu.memory_space<semaphore_mem>>)
        %dma_wait3A = arith.constant 0 : i32
        %dma_wait3A_55 = tpu.memref_slice %arg2[%arg1, %dma_wait3A] : memref<16x4096xi32, #tpu.memory_space<hbm>> -> memref<1x4096xi32, #tpu.memory_space<hbm>>
        %dma_wait3A_56 = tpu.memref_squeeze %dma_wait3A_55 : memref<1x4096xi32, #tpu.memory_space<hbm>> -> memref<4096xi32, #tpu.memory_space<hbm>>
        %dma_wait3A_57 = arith.constant 0 : i32
        %dma_wait3A_58 = tpu.memref_slice %arg2[%arg1, %dma_wait3A_57] : memref<16x4096xi32, #tpu.memory_space<hbm>> -> memref<1x4096xi32, #tpu.memory_space<hbm>>
        %dma_wait3A_59 = tpu.memref_squeeze %dma_wait3A_58 : memref<1x4096xi32, #tpu.memory_space<hbm>> -> memref<4096xi32, #tpu.memory_space<hbm>>
        tpu.wait_dma2 semaphore(%run_scoped3A : memref<!tpu.dma_semaphore, #tpu.memory_space<semaphore_mem>>) src(%dma_wait3A_59 : memref<4096xi32, #tpu.memory_space<hbm>>) dst(%arg9 : memref<4096xi32, #tpu.memory_space<vmem>>)
        tpu.yield
      }) : () -> ()
      "tpu.region"() ({
        %run_scoped3A = tpu.sem_alloc : memref<!tpu.dma_semaphore, #tpu.memory_space<semaphore_mem>>
        %dma_start3A = arith.constant 0 : i32
        %dma_start3A_50 = tpu.memref_slice %arg3[%arg1, %dma_start3A] : memref<16x4096xi32, #tpu.memory_space<hbm>> -> memref<1x4096xi32, #tpu.memory_space<hbm>>
        %dma_start3A_51 = tpu.memref_squeeze %dma_start3A_50 : memref<1x4096xi32, #tpu.memory_space<hbm>> -> memref<4096xi32, #tpu.memory_space<hbm>>
        %dma_start3A_52 = arith.constant 0 : i32
        %dma_start3A_53 = tpu.memref_slice %arg3[%arg1, %dma_start3A_52] : memref<16x4096xi32, #tpu.memory_space<hbm>> -> memref<1x4096xi32, #tpu.memory_space<hbm>>
        %dma_start3A_54 = tpu.memref_squeeze %dma_start3A_53 : memref<1x4096xi32, #tpu.memory_space<hbm>> -> memref<4096xi32, #tpu.memory_space<hbm>>
        tpu.enqueue_dma source(%dma_start3A_54 : memref<4096xi32, #tpu.memory_space<hbm>>) target(%arg10 : memref<4096xi32, #tpu.memory_space<vmem>>) target_semaphore(%run_scoped3A : memref<!tpu.dma_semaphore, #tpu.memory_space<semaphore_mem>>)
        %dma_wait3A = arith.constant 0 : i32
        %dma_wait3A_55 = tpu.memref_slice %arg3[%arg1, %dma_wait3A] : memref<16x4096xi32, #tpu.memory_space<hbm>> -> memref<1x4096xi32, #tpu.memory_space<hbm>>
        %dma_wait3A_56 = tpu.memref_squeeze %dma_wait3A_55 : memref<1x4096xi32, #tpu.memory_space<hbm>> -> memref<4096xi32, #tpu.memory_space<hbm>>
        %dma_wait3A_57 = arith.constant 0 : i32
        %dma_wait3A_58 = tpu.memref_slice %arg3[%arg1, %dma_wait3A_57] : memref<16x4096xi32, #tpu.memory_space<hbm>> -> memref<1x4096xi32, #tpu.memory_space<hbm>>
        %dma_wait3A_59 = tpu.memref_squeeze %dma_wait3A_58 : memref<1x4096xi32, #tpu.memory_space<hbm>> -> memref<4096xi32, #tpu.memory_space<hbm>>
        tpu.wait_dma2 semaphore(%run_scoped3A : memref<!tpu.dma_semaphore, #tpu.memory_space<semaphore_mem>>) src(%dma_wait3A_59 : memref<4096xi32, #tpu.memory_space<hbm>>) dst(%arg10 : memref<4096xi32, #tpu.memory_space<vmem>>)
        tpu.yield
      }) : () -> ()
      "tpu.region"() ({
        %run_scoped3A = tpu.sem_alloc : memref<!tpu.dma_semaphore, #tpu.memory_space<semaphore_mem>>
        %dma_start3A = arith.constant 0 : i32
        %dma_start3A_50 = tpu.memref_slice %arg4[%arg1, %dma_start3A] : memref<16x640xi32, #tpu.memory_space<hbm>> -> memref<1x640xi32, #tpu.memory_space<hbm>>
        %dma_start3A_51 = tpu.memref_squeeze %dma_start3A_50 : memref<1x640xi32, #tpu.memory_space<hbm>> -> memref<640xi32, #tpu.memory_space<hbm>>
        %dma_start3A_52 = arith.constant 0 : i32
        %dma_start3A_53 = tpu.memref_slice %arg4[%arg1, %dma_start3A_52] : memref<16x640xi32, #tpu.memory_space<hbm>> -> memref<1x640xi32, #tpu.memory_space<hbm>>
        %dma_start3A_54 = tpu.memref_squeeze %dma_start3A_53 : memref<1x640xi32, #tpu.memory_space<hbm>> -> memref<640xi32, #tpu.memory_space<hbm>>
        tpu.enqueue_dma source(%dma_start3A_54 : memref<640xi32, #tpu.memory_space<hbm>>) target(%arg13 : memref<640xi32, #tpu.memory_space<vmem>>) target_semaphore(%run_scoped3A : memref<!tpu.dma_semaphore, #tpu.memory_space<semaphore_mem>>)
        %dma_wait3A = arith.constant 0 : i32
        %dma_wait3A_55 = tpu.memref_slice %arg4[%arg1, %dma_wait3A] : memref<16x640xi32, #tpu.memory_space<hbm>> -> memref<1x640xi32, #tpu.memory_space<hbm>>
        %dma_wait3A_56 = tpu.memref_squeeze %dma_wait3A_55 : memref<1x640xi32, #tpu.memory_space<hbm>> -> memref<640xi32, #tpu.memory_space<hbm>>
        %dma_wait3A_57 = arith.constant 0 : i32
        %dma_wait3A_58 = tpu.memref_slice %arg4[%arg1, %dma_wait3A_57] : memref<16x640xi32, #tpu.memory_space<hbm>> -> memref<1x640xi32, #tpu.memory_space<hbm>>
        %dma_wait3A_59 = tpu.memref_squeeze %dma_wait3A_58 : memref<1x640xi32, #tpu.memory_space<hbm>> -> memref<640xi32, #tpu.memory_space<hbm>>
        tpu.wait_dma2 semaphore(%run_scoped3A : memref<!tpu.dma_semaphore, #tpu.memory_space<semaphore_mem>>) src(%dma_wait3A_59 : memref<640xi32, #tpu.memory_space<hbm>>) dst(%arg13 : memref<640xi32, #tpu.memory_space<vmem>>)
        tpu.yield
      }) : () -> ()
      "tpu.region"() ({
        %run_scoped3A = tpu.sem_alloc : memref<!tpu.dma_semaphore, #tpu.memory_space<semaphore_mem>>
        %dma_start3A = arith.constant 0 : i32
        %dma_start3A_50 = tpu.memref_slice %arg5[%arg1, %dma_start3A] : memref<16x4096xi32, #tpu.memory_space<hbm>> -> memref<1x4096xi32, #tpu.memory_space<hbm>>
        %dma_start3A_51 = tpu.memref_squeeze %dma_start3A_50 : memref<1x4096xi32, #tpu.memory_space<hbm>> -> memref<4096xi32, #tpu.memory_space<hbm>>
        %dma_start3A_52 = arith.constant 0 : i32
        %dma_start3A_53 = tpu.memref_slice %arg5[%arg1, %dma_start3A_52] : memref<16x4096xi32, #tpu.memory_space<hbm>> -> memref<1x4096xi32, #tpu.memory_space<hbm>>
        %dma_start3A_54 = tpu.memref_squeeze %dma_start3A_53 : memref<1x4096xi32, #tpu.memory_space<hbm>> -> memref<4096xi32, #tpu.memory_space<hbm>>
        tpu.enqueue_dma source(%dma_start3A_54 : memref<4096xi32, #tpu.memory_space<hbm>>) target(%arg12 : memref<4096xi32, #tpu.memory_space<vmem>>) target_semaphore(%run_scoped3A : memref<!tpu.dma_semaphore, #tpu.memory_space<semaphore_mem>>)
        %dma_wait3A = arith.constant 0 : i32
        %dma_wait3A_55 = tpu.memref_slice %arg5[%arg1, %dma_wait3A] : memref<16x4096xi32, #tpu.memory_space<hbm>> -> memref<1x4096xi32, #tpu.memory_space<hbm>>
        %dma_wait3A_56 = tpu.memref_squeeze %dma_wait3A_55 : memref<1x4096xi32, #tpu.memory_space<hbm>> -> memref<4096xi32, #tpu.memory_space<hbm>>
        %dma_wait3A_57 = arith.constant 0 : i32
        %dma_wait3A_58 = tpu.memref_slice %arg5[%arg1, %dma_wait3A_57] : memref<16x4096xi32, #tpu.memory_space<hbm>> -> memref<1x4096xi32, #tpu.memory_space<hbm>>
        %dma_wait3A_59 = tpu.memref_squeeze %dma_wait3A_58 : memref<1x4096xi32, #tpu.memory_space<hbm>> -> memref<4096xi32, #tpu.memory_space<hbm>>
        tpu.wait_dma2 semaphore(%run_scoped3A : memref<!tpu.dma_semaphore, #tpu.memory_space<semaphore_mem>>) src(%dma_wait3A_59 : memref<4096xi32, #tpu.memory_space<hbm>>) dst(%arg12 : memref<4096xi32, #tpu.memory_space<vmem>>)
        tpu.yield
      }) : () -> ()
      %iota3A = tpu.iota {dimensions = array<i32: 0>} : vector<16xi32>
      %eq3A_2 = arith.constant 0 : i32
      %eq3A_3 = vector.broadcast %eq3A_2 : i32 to vector<16xi32>
      %eq3A_4 = arith.cmpi eq, %iota3A, %eq3A_3 : vector<16xi32>
      %parallel_loop3A = arith.constant 0 : i32
      %parallel_loop3A_5 = arith.constant 256 : i32
      %parallel_loop3A_6 = arith.constant 1 : i32
      scf.for %parallel_loop3A_50 = %parallel_loop3A to %parallel_loop3A_5 step %parallel_loop3A_6  : i32 {
        %parallel_loop3A_51 = arith.constant 16 : i32
        %parallel_loop3A_52 = arith.muli %parallel_loop3A_50, %parallel_loop3A_51 : i32
        %parallel_loop3A_53 = arith.index_cast %parallel_loop3A_52 : i32 to index
        %parallel_loop3A_54 = tpu.vector_load %arg10[%parallel_loop3A_53] {strides = array<i32>} : memref<4096xi32, #tpu.memory_space<vmem>>, vector<16xi32>,
        %parallel_loop3A_55 = tpu.vector_load_idx %arg9[%parallel_loop3A_54] : memref<4096xi32, #tpu.memory_space<vmem>>[vector<16xi32>], vector<16xi32>,
        %parallel_loop3A_56 = arith.constant 0 : i32
        %parallel_loop3A_57 = vector.broadcast %parallel_loop3A_56 : i32 to vector<16xi32>
        %parallel_loop3A_58 = arith.cmpi ne, %parallel_loop3A_55, %parallel_loop3A_57 : vector<16xi32>
        %parallel_loop3A_59 = arith.constant 101 : i32
        %parallel_loop3A_60 = vector.broadcast %parallel_loop3A_59 : i32 to vector<16xi32>
        %parallel_loop3A_61 = arith.cmpi ne, %parallel_loop3A_55, %parallel_loop3A_60 : vector<16xi32>
        %parallel_loop3A_62 = arith.andi %parallel_loop3A_58, %parallel_loop3A_61 : vector<16xi1>
        %parallel_loop3A_63 = arith.constant 102 : i32
        %parallel_loop3A_64 = vector.broadcast %parallel_loop3A_63 : i32 to vector<16xi32>
        %parallel_loop3A_65 = arith.cmpi ne, %parallel_loop3A_55, %parallel_loop3A_64 : vector<16xi32>
        %parallel_loop3A_66 = arith.andi %parallel_loop3A_62, %parallel_loop3A_65 : vector<16xi1>
        %parallel_loop3A_67 = arith.extui %parallel_loop3A_66 : vector<16xi1> to vector<16xi32>
        %parallel_loop3A_68 = arith.constant 16 : i32
        %parallel_loop3A_69 = arith.muli %parallel_loop3A_50, %parallel_loop3A_68 : i32
        %parallel_loop3A_70 = arith.index_cast %parallel_loop3A_69 : i32 to index
        %parallel_loop3A_71 = tpu.vector_load %arg11[%parallel_loop3A_70] {strides = array<i32>} : memref<4096xi32, #tpu.memory_space<vmem>>, vector<16xi32>,
        tpu.vector_store %arg11[%parallel_loop3A_70], %parallel_loop3A_67 {strides = array<i32>} : memref<4096xi32, #tpu.memory_space<vmem>>, vector<16xi32>,
        %parallel_loop3A_72 = tpu.all_reduce %parallel_loop3A_66 {dim = 0 : i64, kind = #tpu.reduction_kind<sum>} : vector<16xi1> -> vector<16xi32>
        %parallel_loop3A_73 = vector.broadcast %parallel_loop3A_50 : i32 to vector<16xi32>
        tpu.vector_store_idx %arg17[%parallel_loop3A_73], %parallel_loop3A_72 masked %eq3A_4 : memref<272xi32, #tpu.memory_space<vmem>>[vector<16xi32>], vector<16xi32>, vector<16xi1>
      } {sc.loop_unroll_factor = 8 : i64, sc.parallel_access}
      %scan3A = arith.constant 0 : i32
      %scan3A_7 = arith.constant 0 : i32
      %scan3A_8 = arith.constant 16 : i32
      %scan3A_9 = arith.addi %scan3A_7, %scan3A_8 : i32
      %scan3A_10 = arith.constant 1 : i32
      %scan3A_11 = scf.for %scan3A_50 = %scan3A_7 to %scan3A_9 step %scan3A_10 iter_args(%scan3A_51 = %scan3A) -> (i32)  : i32 {
        %mul3A_52 = arith.constant 16 : i32
        %mul3A_53 = arith.muli %scan3A_50, %mul3A_52 : i32
        %get3A_54 = arith.index_cast %mul3A_53 : i32 to index
        %get3A_55 = tpu.vector_load %arg17[%get3A_54] {strides = array<i32>} : memref<272xi32, #tpu.memory_space<vmem>>, vector<16xi32>,
        %broadcast_in_dim3A_56 = arith.constant true
        %broadcast_in_dim3A_57 = vector.broadcast %broadcast_in_dim3A_56 : i1 to vector<16xi1>
        %masked_cumsum3A = tpu.scan <sum>, %get3A_55 masked %broadcast_in_dim3A_57 : vector<16xi32>, vector<16xi1> -> vector<16xi32>
        %sub3A = arith.subi %masked_cumsum3A, %get3A_55 : vector<16xi32>
        %add3A = vector.broadcast %scan3A_51 : i32 to vector<16xi32>
        %add3A_58 = arith.addi %sub3A, %add3A : vector<16xi32>
        %mul3A_59 = arith.constant 16 : i32
        %mul3A_60 = arith.muli %scan3A_50, %mul3A_59 : i32
        %swap3A_61 = arith.index_cast %mul3A_60 : i32 to index
        %swap3A_62 = tpu.vector_load %arg17[%swap3A_61] {strides = array<i32>} : memref<272xi32, #tpu.memory_space<vmem>>, vector<16xi32>,
        tpu.vector_store %arg17[%swap3A_61], %add3A_58 {strides = array<i32>} : memref<272xi32, #tpu.memory_space<vmem>>, vector<16xi32>,
        %slice3A_63 = vector.extract_strided_slice %masked_cumsum3A {offsets = [15], sizes = [1], strides = [1]} : vector<16xi32> to vector<1xi32>
        %squeeze3A_64 = vector.extract %slice3A_63[0] : i32 from vector<1xi32>
        %add3A_65 = arith.addi %scan3A_51, %squeeze3A_64 : i32
        scf.yield %add3A_65 : i32
      }
      %scan3A_12 = arith.constant 16 : i32
      %convert_element_type3A_13 = arith.sitofp %scan3A_11 : i32 to f32
      %mul3A = arith.constant 1.500000e-01 : f32
      %mul3A_14 = arith.mulf %mul3A, %convert_element_type3A_13 : f32
      %convert_element_type3A_15 = arith.fptosi %mul3A_14 : f32 to i32
      %min3A = arith.constant 614 : i32
      %min3A_16 = arith.minsi %min3A, %convert_element_type3A_15 : i32
      %min3A_17 = arith.minsi %min3A_16, %scan3A_11 : i32
      %eq3A_18 = arith.constant 1 : i32
      %eq3A_19 = vector.broadcast %eq3A_18 : i32 to vector<16xi32>
      %eq3A_20 = arith.cmpi eq, %iota3A, %eq3A_19 : vector<16xi32>
      %jit3A = arith.constant -1 : i32
      %jit3A_21 = arith.constant 0 : i32
      %broadcast_in_dim3A = vector.broadcast %jit3A : i32 to vector<16xi32>
      %broadcast_in_dim3A_22 = vector.broadcast %jit3A_21 : i32 to vector<16xi32>
      %select_n3A = arith.select %eq3A_20, %broadcast_in_dim3A, %broadcast_in_dim3A_22 : vector<16xi1>, vector<16xi32>
      %jit3A_23 = arith.constant 2147483647 : i32
      %broadcast_in_dim3A_24 = vector.broadcast %jit3A_23 : i32 to vector<16xi32>
      %select_n3A_25 = arith.select %eq3A_4, %broadcast_in_dim3A_24, %select_n3A : vector<16xi1>, vector<16xi32>
      %swap3A = arith.constant 0 : index
      %swap3A_26 = tpu.vector_load %arg18[%swap3A] {strides = array<i32>} : memref<16xi32, #tpu.memory_space<vmem>>, vector<16xi32>,
      tpu.vector_store %arg18[%swap3A], %select_n3A_25 {strides = array<i32>} : memref<16xi32, #tpu.memory_space<vmem>>, vector<16xi32>,
      %gt3A = arith.constant 0 : i32
      %gt3A_27 = arith.cmpi sgt, %min3A_17, %gt3A : i32
      %convert_element_type3A_28 = arith.extui %gt3A_27 : i1 to i32
      %cond3A_29 = arith.constant 0 : i32
      %cond3A_30 = arith.cmpi ne, %convert_element_type3A_28, %cond3A_29 : i32
      scf.if %cond3A_30 {
        %scan3A_50 = arith.constant 0 : i32
        %scan3A_51 = arith.constant 0 : i32
        %scan3A_52 = arith.constant 16 : i32
        %scan3A_53 = arith.addi %scan3A_51, %scan3A_52 : i32
        %scan3A_54 = arith.constant 1 : i32
        %scan3A_55 = scf.for %scan3A_82 = %scan3A_51 to %scan3A_53 step %scan3A_54 iter_args(%scan3A_83 = %scan3A_50) -> (i32)  : i32 {
          %mul3A_84 = arith.constant 16 : i32
          %mul3A_85 = arith.muli %scan3A_82, %mul3A_84 : i32
          %get3A_86 = arith.index_cast %mul3A_85 : i32 to index
          %get3A_87 = tpu.vector_load %arg17[%get3A_86] {strides = array<i32>} : memref<272xi32, #tpu.memory_space<vmem>>, vector<16xi32>,
          %sub3A_88 = arith.constant 1 : i32
          %sub3A_89 = arith.subi %min3A_17, %sub3A_88 : i32
          %le3A = vector.broadcast %sub3A_89 : i32 to vector<16xi32>
          %le3A_90 = arith.cmpi sle, %get3A_87, %le3A : vector<16xi32>
          %all_reduce_population_count3A = tpu.all_reduce %le3A_90 {dim = 0 : i64, kind = #tpu.reduction_kind<sum>} : vector<16xi1> -> vector<16xi32>
          %slice3A_91 = vector.extract_strided_slice %all_reduce_population_count3A {offsets = [0], sizes = [1], strides = [1]} : vector<16xi32> to vector<1xi32>
          %squeeze3A_92 = vector.extract %slice3A_91[0] : i32 from vector<1xi32>
          %add3A_93 = arith.addi %scan3A_83, %squeeze3A_92 : i32
          scf.yield %add3A_93 : i32
        }
        %scan3A_56 = arith.constant 16 : i32
        %sub3A = arith.constant 1 : i32
        %sub3A_57 = arith.subi %scan3A_55, %sub3A : i32
        %get3A_58 = arith.index_cast %sub3A_57 : i32 to index
        %get3A_59 = tpu.vector_load %arg17[%get3A_58] {strides = array<i32>} : memref<272xi32, #tpu.memory_space<vmem>>, vector<16xi32>,
        %slice3A_60 = vector.extract_strided_slice %get3A_59 {offsets = [0], sizes = [1], strides = [1]} : vector<16xi32> to vector<1xi32>
        %squeeze3A_61 = vector.extract %slice3A_60[0] : i32 from vector<1xi32>
        %mul3A_62 = arith.constant 16 : i32
        %mul3A_63 = arith.muli %sub3A_57, %mul3A_62 : i32
        %get3A_64 = arith.index_cast %mul3A_63 : i32 to index
        %get3A_65 = tpu.vector_load %arg11[%get3A_64] {strides = array<i32>} : memref<4096xi32, #tpu.memory_space<vmem>>, vector<16xi32>,
        %broadcast_in_dim3A_66 = arith.constant true
        %broadcast_in_dim3A_67 = vector.broadcast %broadcast_in_dim3A_66 : i1 to vector<16xi1>
        %masked_cumsum3A = tpu.scan <sum>, %get3A_65 masked %broadcast_in_dim3A_67 : vector<16xi32>, vector<16xi1> -> vector<16xi32>
        %eq3A_68 = arith.constant 1 : i32
        %eq3A_69 = vector.broadcast %eq3A_68 : i32 to vector<16xi32>
        %eq3A_70 = arith.cmpi eq, %get3A_65, %eq3A_69 : vector<16xi32>
        %add3A = vector.broadcast %squeeze3A_61 : i32 to vector<16xi32>
        %add3A_71 = arith.addi %add3A, %masked_cumsum3A : vector<16xi32>
        %eq3A_72 = vector.broadcast %min3A_17 : i32 to vector<16xi32>
        %eq3A_73 = arith.cmpi eq, %add3A_71, %eq3A_72 : vector<16xi32>
        %and3A = arith.andi %eq3A_70, %eq3A_73 : vector<16xi1>
        %mul3A_74 = arith.constant 16 : i32
        %mul3A_75 = arith.muli %sub3A_57, %mul3A_74 : i32
        %get3A_76 = arith.index_cast %mul3A_75 : i32 to index
        %get3A_77 = tpu.vector_load %arg10[%get3A_76] {strides = array<i32>} : memref<4096xi32, #tpu.memory_space<vmem>>, vector<16xi32>,
        %gather3A = tpu.vector_load_idx %arg12[%get3A_77] : memref<4096xi32, #tpu.memory_space<vmem>>[vector<16xi32>], vector<16xi32>,
        %broadcast_in_dim3A_78 = arith.constant 0 : i32
        %broadcast_in_dim3A_79 = vector.broadcast %broadcast_in_dim3A_78 : i32 to vector<16xi32>
        tpu.vector_store_idx %arg18[%broadcast_in_dim3A_79], %gather3A masked %and3A : memref<16xi32, #tpu.memory_space<vmem>>[vector<16xi32>], vector<16xi32>, vector<16xi1>
        %broadcast_in_dim3A_80 = arith.constant 1 : i32
        %broadcast_in_dim3A_81 = vector.broadcast %broadcast_in_dim3A_80 : i32 to vector<16xi32>
        tpu.vector_store_idx %arg18[%broadcast_in_dim3A_81], %get3A_77 masked %and3A : memref<16xi32, #tpu.memory_space<vmem>>[vector<16xi32>], vector<16xi32>, vector<16xi1>
      } else {
      }
      %get3A = arith.constant 0 : index
      %get3A_31 = tpu.vector_load %arg18[%get3A] {strides = array<i32>} : memref<16xi32, #tpu.memory_space<vmem>>, vector<16xi32>,
      %slice3A = vector.extract_strided_slice %get3A_31 {offsets = [0], sizes = [1], strides = [1]} : vector<16xi32> to vector<1xi32>
      %squeeze3A = vector.extract %slice3A[0] : i32 from vector<1xi32>
      %slice3A_32 = vector.extract_strided_slice %get3A_31 {offsets = [1], sizes = [1], strides = [1]} : vector<16xi32> to vector<1xi32>
      %squeeze3A_33 = vector.extract %slice3A_32[0] : i32 from vector<1xi32>
      %parallel_loop3A_34 = arith.constant 0 : i32
      %parallel_loop3A_35 = arith.constant 40 : i32
      %parallel_loop3A_36 = arith.constant 1 : i32
      scf.for %parallel_loop3A_50 = %parallel_loop3A_34 to %parallel_loop3A_35 step %parallel_loop3A_36  : i32 {
        %parallel_loop3A_51 = arith.constant 0 : i32
        %parallel_loop3A_52 = vector.broadcast %parallel_loop3A_51 : i32 to vector<16xi32>
        %parallel_loop3A_53 = arith.constant 16 : i32
        %parallel_loop3A_54 = arith.muli %parallel_loop3A_50, %parallel_loop3A_53 : i32
        %parallel_loop3A_55 = arith.index_cast %parallel_loop3A_54 : i32 to index
        %parallel_loop3A_56 = tpu.vector_load %arg15[%parallel_loop3A_55] {strides = array<i32>} : memref<640xi32, #tpu.memory_space<vmem>>, vector<16xi32>,
        tpu.vector_store %arg15[%parallel_loop3A_55], %parallel_loop3A_52 {strides = array<i32>} : memref<640xi32, #tpu.memory_space<vmem>>, vector<16xi32>,
        %parallel_loop3A_57 = arith.constant 16 : i32
        %parallel_loop3A_58 = arith.muli %parallel_loop3A_50, %parallel_loop3A_57 : i32
        %parallel_loop3A_59 = arith.index_cast %parallel_loop3A_58 : i32 to index
        %parallel_loop3A_60 = tpu.vector_load %arg16[%parallel_loop3A_59] {strides = array<i32>} : memref<640xi32, #tpu.memory_space<vmem>>, vector<16xi32>,
        tpu.vector_store %arg16[%parallel_loop3A_59], %parallel_loop3A_52 {strides = array<i32>} : memref<640xi32, #tpu.memory_space<vmem>>, vector<16xi32>,
      } {sc.loop_unroll_factor = 8 : i64, sc.parallel_access}
      %parallel_loop3A_37 = arith.constant 0 : i32
      %parallel_loop3A_38 = arith.constant 256 : i32
      %parallel_loop3A_39 = arith.constant 1 : i32
      scf.for %parallel_loop3A_50 = %parallel_loop3A_37 to %parallel_loop3A_38 step %parallel_loop3A_39  : i32 {
        %parallel_loop3A_51 = arith.constant 16 : i32
        %parallel_loop3A_52 = arith.muli %parallel_loop3A_50, %parallel_loop3A_51 : i32
        %parallel_loop3A_53 = arith.index_cast %parallel_loop3A_52 : i32 to index
        %parallel_loop3A_54 = tpu.vector_load %arg9[%parallel_loop3A_53] {strides = array<i32>} : memref<4096xi32, #tpu.memory_space<vmem>>, vector<16xi32>,
        %parallel_loop3A_55 = arith.constant 0 : i32
        %parallel_loop3A_56 = vector.broadcast %parallel_loop3A_55 : i32 to vector<16xi32>
        %parallel_loop3A_57 = arith.cmpi ne, %parallel_loop3A_54, %parallel_loop3A_56 : vector<16xi32>
        %parallel_loop3A_58 = arith.constant 101 : i32
        %parallel_loop3A_59 = vector.broadcast %parallel_loop3A_58 : i32 to vector<16xi32>
        %parallel_loop3A_60 = arith.cmpi ne, %parallel_loop3A_54, %parallel_loop3A_59 : vector<16xi32>
        %parallel_loop3A_61 = arith.andi %parallel_loop3A_57, %parallel_loop3A_60 : vector<16xi1>
        %parallel_loop3A_62 = arith.constant 102 : i32
        %parallel_loop3A_63 = vector.broadcast %parallel_loop3A_62 : i32 to vector<16xi32>
        %parallel_loop3A_64 = arith.cmpi ne, %parallel_loop3A_54, %parallel_loop3A_63 : vector<16xi32>
        %parallel_loop3A_65 = arith.andi %parallel_loop3A_61, %parallel_loop3A_64 : vector<16xi1>
        %parallel_loop3A_66 = arith.index_cast %parallel_loop3A_52 : i32 to index
        %parallel_loop3A_67 = tpu.vector_load %arg12[%parallel_loop3A_66] {strides = array<i32>} : memref<4096xi32, #tpu.memory_space<vmem>>, vector<16xi32>,
        %parallel_loop3A_68 = vector.broadcast %parallel_loop3A_52 : i32 to vector<16xi32>
        %parallel_loop3A_69 = arith.addi %iota3A, %parallel_loop3A_68 : vector<16xi32>
        %parallel_loop3A_70 = vector.broadcast %squeeze3A : i32 to vector<16xi32>
        %parallel_loop3A_71 = arith.cmpi sgt, %parallel_loop3A_67, %parallel_loop3A_70 : vector<16xi32>
        %parallel_loop3A_72 = vector.broadcast %squeeze3A : i32 to vector<16xi32>
        %parallel_loop3A_73 = arith.cmpi eq, %parallel_loop3A_67, %parallel_loop3A_72 : vector<16xi32>
        %parallel_loop3A_74 = vector.broadcast %squeeze3A_33 : i32 to vector<16xi32>
        %parallel_loop3A_75 = arith.cmpi sle, %parallel_loop3A_69, %parallel_loop3A_74 : vector<16xi32>
        %parallel_loop3A_76 = arith.andi %parallel_loop3A_73, %parallel_loop3A_75 : vector<16xi1>
        %parallel_loop3A_77 = arith.ori %parallel_loop3A_71, %parallel_loop3A_76 : vector<16xi1>
        %parallel_loop3A_78 = arith.andi %parallel_loop3A_65, %parallel_loop3A_77 : vector<16xi1>
        %parallel_loop3A_79 = arith.extui %parallel_loop3A_78 : vector<16xi1> to vector<16xi32>
        %parallel_loop3A_80 = arith.index_cast %parallel_loop3A_52 : i32 to index
        %parallel_loop3A_81 = tpu.vector_load %arg11[%parallel_loop3A_80] {strides = array<i32>} : memref<4096xi32, #tpu.memory_space<vmem>>, vector<16xi32>,
        tpu.vector_store %arg11[%parallel_loop3A_80], %parallel_loop3A_79 {strides = array<i32>} : memref<4096xi32, #tpu.memory_space<vmem>>, vector<16xi32>,
        %parallel_loop3A_82 = tpu.all_reduce %parallel_loop3A_78 {dim = 0 : i64, kind = #tpu.reduction_kind<sum>} : vector<16xi1> -> vector<16xi32>
        %parallel_loop3A_83 = vector.broadcast %parallel_loop3A_50 : i32 to vector<16xi32>
        tpu.vector_store_idx %arg17[%parallel_loop3A_83], %parallel_loop3A_82 masked %eq3A_4 : memref<272xi32, #tpu.memory_space<vmem>>[vector<16xi32>], vector<16xi32>, vector<16xi1>
      } {sc.loop_unroll_factor = 8 : i64, sc.parallel_access}
      %scan3A_40 = arith.constant 0 : i32
      %scan3A_41 = arith.constant 0 : i32
      %scan3A_42 = arith.constant 16 : i32
      %scan3A_43 = arith.addi %scan3A_41, %scan3A_42 : i32
      %scan3A_44 = arith.constant 1 : i32
      %scan3A_45 = scf.for %scan3A_50 = %scan3A_41 to %scan3A_43 step %scan3A_44 iter_args(%scan3A_51 = %scan3A_40) -> (i32)  : i32 {
        %mul3A_52 = arith.constant 16 : i32
        %mul3A_53 = arith.muli %scan3A_50, %mul3A_52 : i32
        %get3A_54 = arith.index_cast %mul3A_53 : i32 to index
        %get3A_55 = tpu.vector_load %arg17[%get3A_54] {strides = array<i32>} : memref<272xi32, #tpu.memory_space<vmem>>, vector<16xi32>,
        %broadcast_in_dim3A_56 = arith.constant true
        %broadcast_in_dim3A_57 = vector.broadcast %broadcast_in_dim3A_56 : i1 to vector<16xi1>
        %masked_cumsum3A = tpu.scan <sum>, %get3A_55 masked %broadcast_in_dim3A_57 : vector<16xi32>, vector<16xi1> -> vector<16xi32>
        %sub3A = arith.subi %masked_cumsum3A, %get3A_55 : vector<16xi32>
        %add3A = vector.broadcast %scan3A_51 : i32 to vector<16xi32>
        %add3A_58 = arith.addi %sub3A, %add3A : vector<16xi32>
        %mul3A_59 = arith.constant 16 : i32
        %mul3A_60 = arith.muli %scan3A_50, %mul3A_59 : i32
        %swap3A_61 = arith.index_cast %mul3A_60 : i32 to index
        %swap3A_62 = tpu.vector_load %arg17[%swap3A_61] {strides = array<i32>} : memref<272xi32, #tpu.memory_space<vmem>>, vector<16xi32>,
        tpu.vector_store %arg17[%swap3A_61], %add3A_58 {strides = array<i32>} : memref<272xi32, #tpu.memory_space<vmem>>, vector<16xi32>,
        %slice3A_63 = vector.extract_strided_slice %masked_cumsum3A {offsets = [15], sizes = [1], strides = [1]} : vector<16xi32> to vector<1xi32>
        %squeeze3A_64 = vector.extract %slice3A_63[0] : i32 from vector<1xi32>
        %add3A_65 = arith.addi %scan3A_51, %squeeze3A_64 : i32
        scf.yield %add3A_65 : i32
      }
      %scan3A_46 = arith.constant 16 : i32
      %parallel_loop3A_47 = arith.constant 0 : i32
      %parallel_loop3A_48 = arith.constant 256 : i32
      %parallel_loop3A_49 = arith.constant 1 : i32
      scf.for %parallel_loop3A_50 = %parallel_loop3A_47 to %parallel_loop3A_48 step %parallel_loop3A_49  : i32 {
        %parallel_loop3A_51 = arith.constant 16 : i32
        %parallel_loop3A_52 = arith.muli %parallel_loop3A_50, %parallel_loop3A_51 : i32
        %parallel_loop3A_53 = arith.index_cast %parallel_loop3A_52 : i32 to index
        %parallel_loop3A_54 = tpu.vector_load %arg11[%parallel_loop3A_53] {strides = array<i32>} : memref<4096xi32, #tpu.memory_space<vmem>>, vector<16xi32>,
        %parallel_loop3A_55 = arith.constant 1 : i32
        %parallel_loop3A_56 = vector.broadcast %parallel_loop3A_55 : i32 to vector<16xi32>
        %parallel_loop3A_57 = arith.cmpi eq, %parallel_loop3A_54, %parallel_loop3A_56 : vector<16xi32>
        %parallel_loop3A_58 = arith.constant true
        %parallel_loop3A_59 = vector.broadcast %parallel_loop3A_58 : i1 to vector<16xi1>
        %parallel_loop3A_60 = tpu.scan <sum>, %parallel_loop3A_54 masked %parallel_loop3A_59 : vector<16xi32>, vector<16xi1> -> vector<16xi32>
        %parallel_loop3A_61 = arith.subi %parallel_loop3A_60, %parallel_loop3A_54 : vector<16xi32>
        %parallel_loop3A_62 = arith.index_cast %parallel_loop3A_50 : i32 to index
        %parallel_loop3A_63 = tpu.vector_load %arg17[%parallel_loop3A_62] {strides = array<i32>} : memref<272xi32, #tpu.memory_space<vmem>>, vector<16xi32>,
        %parallel_loop3A_64 = vector.extract_strided_slice %parallel_loop3A_63 {offsets = [0], sizes = [1], strides = [1]} : vector<16xi32> to vector<1xi32>
        %parallel_loop3A_65 = vector.extract %parallel_loop3A_64[0] : i32 from vector<1xi32>
        %parallel_loop3A_66 = vector.broadcast %parallel_loop3A_65 : i32 to vector<16xi32>
        %parallel_loop3A_67 = arith.addi %parallel_loop3A_61, %parallel_loop3A_66 : vector<16xi32>
        %parallel_loop3A_68 = arith.index_cast %parallel_loop3A_52 : i32 to index
        %parallel_loop3A_69 = tpu.vector_load %arg9[%parallel_loop3A_68] {strides = array<i32>} : memref<4096xi32, #tpu.memory_space<vmem>>, vector<16xi32>,
        %parallel_loop3A_70 = vector.broadcast %parallel_loop3A_52 : i32 to vector<16xi32>
        %parallel_loop3A_71 = arith.addi %iota3A, %parallel_loop3A_70 : vector<16xi32>
        tpu.vector_store_idx %arg15[%parallel_loop3A_67], %parallel_loop3A_71 masked %parallel_loop3A_57 : memref<640xi32, #tpu.memory_space<vmem>>[vector<16xi32>], vector<16xi32>, vector<16xi1>
        tpu.vector_store_idx %arg16[%parallel_loop3A_67], %parallel_loop3A_69 masked %parallel_loop3A_57 : memref<640xi32, #tpu.memory_space<vmem>>[vector<16xi32>], vector<16xi32>, vector<16xi1>
        %parallel_loop3A_72 = tpu.vector_load_idx %arg13[%parallel_loop3A_67] masked %parallel_loop3A_57 : memref<640xi32, #tpu.memory_space<vmem>>[vector<16xi32>], vector<16xi32>, vector<16xi1>
        %parallel_loop3A_73 = arith.constant -1 : i32
        %parallel_loop3A_74 = vector.broadcast %parallel_loop3A_73 : i32 to vector<16xi32>
        %parallel_loop3A_75 = arith.cmpi ne, %parallel_loop3A_72, %parallel_loop3A_74 : vector<16xi32>
        %parallel_loop3A_76 = arith.andi %parallel_loop3A_57, %parallel_loop3A_75 : vector<16xi1>
        %parallel_loop3A_77 = arith.select %parallel_loop3A_76, %parallel_loop3A_72, %parallel_loop3A_69 : vector<16xi1>, vector<16xi32>
        %parallel_loop3A_78 = arith.index_cast %parallel_loop3A_52 : i32 to index
        %parallel_loop3A_79 = tpu.vector_load %arg14[%parallel_loop3A_78] {strides = array<i32>} : memref<4096xi32, #tpu.memory_space<vmem>>, vector<16xi32>,
        tpu.vector_store %arg14[%parallel_loop3A_78], %parallel_loop3A_77 {strides = array<i32>} : memref<4096xi32, #tpu.memory_space<vmem>>, vector<16xi32>,
      } {sc.loop_unroll_factor = 4 : i64, sc.parallel_access}
      "tpu.region"() ({
        %run_scoped3A = tpu.sem_alloc : memref<!tpu.dma_semaphore, #tpu.memory_space<semaphore_mem>>
        %dma_start3A = arith.constant 0 : i32
        %dma_start3A_50 = tpu.memref_slice %arg6[%arg1, %dma_start3A] : memref<16x4096xi32, #tpu.memory_space<hbm>> -> memref<1x4096xi32, #tpu.memory_space<hbm>>
        %dma_start3A_51 = tpu.memref_squeeze %dma_start3A_50 : memref<1x4096xi32, #tpu.memory_space<hbm>> -> memref<4096xi32, #tpu.memory_space<hbm>>
        %dma_start3A_52 = arith.constant 0 : i32
        %dma_start3A_53 = tpu.memref_slice %arg6[%arg1, %dma_start3A_52] : memref<16x4096xi32, #tpu.memory_space<hbm>> -> memref<1x4096xi32, #tpu.memory_space<hbm>>
        %dma_start3A_54 = tpu.memref_squeeze %dma_start3A_53 : memref<1x4096xi32, #tpu.memory_space<hbm>> -> memref<4096xi32, #tpu.memory_space<hbm>>
        tpu.enqueue_dma source(%arg14 : memref<4096xi32, #tpu.memory_space<vmem>>) target(%dma_start3A_54 : memref<4096xi32, #tpu.memory_space<hbm>>) target_semaphore(%run_scoped3A : memref<!tpu.dma_semaphore, #tpu.memory_space<semaphore_mem>>)
        %dma_wait3A = arith.constant 0 : i32
        %dma_wait3A_55 = tpu.memref_slice %arg6[%arg1, %dma_wait3A] : memref<16x4096xi32, #tpu.memory_space<hbm>> -> memref<1x4096xi32, #tpu.memory_space<hbm>>
        %dma_wait3A_56 = tpu.memref_squeeze %dma_wait3A_55 : memref<1x4096xi32, #tpu.memory_space<hbm>> -> memref<4096xi32, #tpu.memory_space<hbm>>
        %dma_wait3A_57 = arith.constant 0 : i32
        %dma_wait3A_58 = tpu.memref_slice %arg6[%arg1, %dma_wait3A_57] : memref<16x4096xi32, #tpu.memory_space<hbm>> -> memref<1x4096xi32, #tpu.memory_space<hbm>>
        %dma_wait3A_59 = tpu.memref_squeeze %dma_wait3A_58 : memref<1x4096xi32, #tpu.memory_space<hbm>> -> memref<4096xi32, #tpu.memory_space<hbm>>
        tpu.wait_dma2 semaphore(%run_scoped3A : memref<!tpu.dma_semaphore, #tpu.memory_space<semaphore_mem>>) src(%arg14 : memref<4096xi32, #tpu.memory_space<vmem>>) dst(%dma_wait3A_59 : memref<4096xi32, #tpu.memory_space<hbm>>)
        tpu.yield
      }) : () -> ()
      "tpu.region"() ({
        %run_scoped3A = tpu.sem_alloc : memref<!tpu.dma_semaphore, #tpu.memory_space<semaphore_mem>>
        %dma_start3A = arith.constant 0 : i32
        %dma_start3A_50 = tpu.memref_slice %arg7[%arg1, %dma_start3A] : memref<16x640xi32, #tpu.memory_space<hbm>> -> memref<1x640xi32, #tpu.memory_space<hbm>>
        %dma_start3A_51 = tpu.memref_squeeze %dma_start3A_50 : memref<1x640xi32, #tpu.memory_space<hbm>> -> memref<640xi32, #tpu.memory_space<hbm>>
        %dma_start3A_52 = arith.constant 0 : i32
        %dma_start3A_53 = tpu.memref_slice %arg7[%arg1, %dma_start3A_52] : memref<16x640xi32, #tpu.memory_space<hbm>> -> memref<1x640xi32, #tpu.memory_space<hbm>>
        %dma_start3A_54 = tpu.memref_squeeze %dma_start3A_53 : memref<1x640xi32, #tpu.memory_space<hbm>> -> memref<640xi32, #tpu.memory_space<hbm>>
        tpu.enqueue_dma source(%arg15 : memref<640xi32, #tpu.memory_space<vmem>>) target(%dma_start3A_54 : memref<640xi32, #tpu.memory_space<hbm>>) target_semaphore(%run_scoped3A : memref<!tpu.dma_semaphore, #tpu.memory_space<semaphore_mem>>)
        %dma_wait3A = arith.constant 0 : i32
        %dma_wait3A_55 = tpu.memref_slice %arg7[%arg1, %dma_wait3A] : memref<16x640xi32, #tpu.memory_space<hbm>> -> memref<1x640xi32, #tpu.memory_space<hbm>>
        %dma_wait3A_56 = tpu.memref_squeeze %dma_wait3A_55 : memref<1x640xi32, #tpu.memory_space<hbm>> -> memref<640xi32, #tpu.memory_space<hbm>>
        %dma_wait3A_57 = arith.constant 0 : i32
        %dma_wait3A_58 = tpu.memref_slice %arg7[%arg1, %dma_wait3A_57] : memref<16x640xi32, #tpu.memory_space<hbm>> -> memref<1x640xi32, #tpu.memory_space<hbm>>
        %dma_wait3A_59 = tpu.memref_squeeze %dma_wait3A_58 : memref<1x640xi32, #tpu.memory_space<hbm>> -> memref<640xi32, #tpu.memory_space<hbm>>
        tpu.wait_dma2 semaphore(%run_scoped3A : memref<!tpu.dma_semaphore, #tpu.memory_space<semaphore_mem>>) src(%arg15 : memref<640xi32, #tpu.memory_space<vmem>>) dst(%dma_wait3A_59 : memref<640xi32, #tpu.memory_space<hbm>>)
        tpu.yield
      }) : () -> ()
      "tpu.region"() ({
        %run_scoped3A = tpu.sem_alloc : memref<!tpu.dma_semaphore, #tpu.memory_space<semaphore_mem>>
        %dma_start3A = arith.constant 0 : i32
        %dma_start3A_50 = tpu.memref_slice %arg8[%arg1, %dma_start3A] : memref<16x640xi32, #tpu.memory_space<hbm>> -> memref<1x640xi32, #tpu.memory_space<hbm>>
        %dma_start3A_51 = tpu.memref_squeeze %dma_start3A_50 : memref<1x640xi32, #tpu.memory_space<hbm>> -> memref<640xi32, #tpu.memory_space<hbm>>
        %dma_start3A_52 = arith.constant 0 : i32
        %dma_start3A_53 = tpu.memref_slice %arg8[%arg1, %dma_start3A_52] : memref<16x640xi32, #tpu.memory_space<hbm>> -> memref<1x640xi32, #tpu.memory_space<hbm>>
        %dma_start3A_54 = tpu.memref_squeeze %dma_start3A_53 : memref<1x640xi32, #tpu.memory_space<hbm>> -> memref<640xi32, #tpu.memory_space<hbm>>
        tpu.enqueue_dma source(%arg16 : memref<640xi32, #tpu.memory_space<vmem>>) target(%dma_start3A_54 : memref<640xi32, #tpu.memory_space<hbm>>) target_semaphore(%run_scoped3A : memref<!tpu.dma_semaphore, #tpu.memory_space<semaphore_mem>>)
        %dma_wait3A = arith.constant 0 : i32
        %dma_wait3A_55 = tpu.memref_slice %arg8[%arg1, %dma_wait3A] : memref<16x640xi32, #tpu.memory_space<hbm>> -> memref<1x640xi32, #tpu.memory_space<hbm>>
        %dma_wait3A_56 = tpu.memref_squeeze %dma_wait3A_55 : memref<1x640xi32, #tpu.memory_space<hbm>> -> memref<640xi32, #tpu.memory_space<hbm>>
        %dma_wait3A_57 = arith.constant 0 : i32
        %dma_wait3A_58 = tpu.memref_slice %arg8[%arg1, %dma_wait3A_57] : memref<16x640xi32, #tpu.memory_space<hbm>> -> memref<1x640xi32, #tpu.memory_space<hbm>>
        %dma_wait3A_59 = tpu.memref_squeeze %dma_wait3A_58 : memref<1x640xi32, #tpu.memory_space<hbm>> -> memref<640xi32, #tpu.memory_space<hbm>>
        tpu.wait_dma2 semaphore(%run_scoped3A : memref<!tpu.dma_semaphore, #tpu.memory_space<semaphore_mem>>) src(%arg16 : memref<640xi32, #tpu.memory_space<vmem>>) dst(%dma_wait3A_59 : memref<640xi32, #tpu.memory_space<hbm>>)
        tpu.yield
      }) : () -> ()
    } else {
    }
    return
  }
}

</mosaic_0001>

<sc_bundles>
// kernel: _masker.3.cloned.1.call-start
scs
__scs_entry_jumppad:
0x0: {  	(pc) =	sbr.rel $0x88, $3  }
0x1: {  	(tag) =	ssettag $0x0;
	lr =	simm.s32 $0x1  }
0x2: {  	[smem:$0x3F9D] =	sst lr;
	_ =	strace $0xD0000000  }
0x3: {  	_ = 	snop  }
0x4: {  	_ = 	snop  }
0x5: {  	_ = 	snop  }
0x6: {  	_ = 	snop  }
0x7: {  	_ = 	snop  }
__scs_overlays_trampoline_lowered:
0x8: {  	[smem:$0x3FAC] =	sst s0  }
0x9: {  	[smem:$0x3FAD] =	sst s1  }
0xa: {  	[smem:$0x3FAE] =	sst s2  }
0xb: {  	[smem:$0x3FAF] =	sst s3  }
0xc: {  	[smem:$0x3FB0] =	sst s4  }
0xd: {  	[smem:$0x3FB1] =	sst s5  }
0xe: {  	[smem:$0x3FB2] =	sst s6  }
0xf: {  	[smem:$0x3FB3] =	sst s7  }
0x10: {  	[smem:$0x3FB4] =	sst s8  }
0x11: {  	[smem:$0x3FB5] =	sst s9;
	s0 =	simm.s32 @!p0 $0x0  }
0x12: {  	s1 =	sld [smem:$0x3F9B];
	s0 =	simm.s32 @p0 $0x1  }
0x13: {  	[smem:$0x3FB6] =	sst s0;
	s0 =	simm.s32 @!p1 $0x0  }
0x14: {  	s2 =	sld [smem:$0x3F9A];
	s0 =	simm.s32 @p1 $0x1  }
0x15: {  	[smem:$0x3FB7] =	sst s0;
	s0 =	simm.s32 @!p2 $0x0  }
0x16: {  	s3 =	sld [smem:$0x3FDB];
	s0 =	simm.s32 @p2 $0x1  }
0x17: {  	s4 =	simm.s32 $0x1BF5;
	[smem:$0x3FB9] =	sst s0  }
0x18: {  	s0 =	sld [smem:$0x3F9C];
	_ =	swait.ge [sflag:s4], $0x0  }
0x19: {  	s7 =	sld [smem:$0x3F9D]  }
0x1a: {  	s8 =	sadd.s32 $0xFFFFE003, lr  }
0x1b: {  	s9 =	sadd.s32 $0xFFFFFEF7, lr;
	s5 =	simm.s32 $0xFFFFFFFF;
	p2 =	slt.u32 s8, $0xFFFFF086  }
0x1c: {  	p1 =	slt.u32 s9, $0xF7A;
	s5 =	simm.s32 @!p2 $0x0  }
0x1d: {  	s5 =	simm.s32 @p1 $0x1;
	p0 =	seq.s32 s7, s2  }
0x1e: {  	s7 =	smul.u32 @!p0 $0xF7A, s2;
	p2 =	seq.s32 @!p0 s5, $0x0  }
0x1f: {  	s9 =	smul.u32 $0xF7A, s1;
	s8 =	simm.s32 @!p0 $0x1BF5;
	p2 =	por !p2, p0  }
0x20: {  	[sflag:s8] =	ssyncset.s32 @!p0 $0xFFFFF086;
	s6 =	sadd.s32 @!p0 s3, s7;
	s7 =	simm.s32 @!p0 $0x108  }
0x21: {  	s3 =	sadd.s32 s3, s9;
	s6 =	sadd.s32 @!p0 $0x88, s6;
	s7 =	simm.s32 @p2 $0x1082  }
0x22: {  	[simem:s7], [sflag:s8] =	dma.local @!p0 [hbm:s6], $0xF7A  }
0x23: {  	s9 =	sor.u32 $0xD0000000, s2;
	s6 =	simm.s32 $0x108;
	_ =	swait.ge @!p0 [sflag:s8], $0x0  }
0x24: {  	s3 =	sadd.s32 $0x88, s3;
	s6 =	simm.s32 @!p1 $0x1082;
	[sflag:s4] =	ssyncset.s32 $0xFFFFF086  }
0x25: {  	[simem:s6], [sflag:s4] =	dma.local [hbm:s3], $0xF7A  }
0x26: {  	[smem:$0x3F9D] =	sst s1;
	(tag) =	ssettag s2;
	_ =	strace s9  }
0x27: {  	s1 =	sld [smem:$0x3FAD]  }
0x28: {  	s2 =	sld [smem:$0x3FAE]  }
0x29: {  	s4 =	sld [smem:$0x3FB0]  }
0x2a: {  	p0 =	seq.s32 s5, $0x0;
	s5 =	sld [smem:$0x3FB1]  }
0x2b: {  	s6 =	sld [smem:$0x3FB2]  }
0x2c: {  	s7 =	sld [smem:$0x3FB3]  }
0x2d: {  	s3 =	simm.s32 $0x108;
	s8 =	sld [smem:$0x3FB4]  }
0x2e: {  	s3 =	simm.s32 @!p0 $0x1082;
	s9 =	sld [smem:$0x3FB5]  }
0x2f: {  	lr =	sadd.s32 s0, s3;
	s0 =	sld [smem:$0x3FAC]  }
0x30: {  	s3 =	sld [smem:$0x3FAF]  }
0x31: {  	[smem:$0x3FB8] =	sst s10  }
0x32: {  	s10 =	sld [smem:$0x3FB6];
	_ =	sdelay $0x3  }
0x33: {  	p0 =	seq.s32 s10, $0x1;
	s10 =	sld [smem:$0x3FB8];
	_ =	sdelay $0x3  }
0x34: {  	[smem:$0x3FB8] =	sst s10  }
0x35: {  	s10 =	sld [smem:$0x3FB7];
	_ =	sdelay $0x3  }
0x36: {  	p1 =	seq.s32 s10, $0x1;
	s10 =	sld [smem:$0x3FB8];
	_ =	sdelay $0x3  }
0x37: {  	[smem:$0x3FB8] =	sst s10  }
0x38: {  	s10 =	sld [smem:$0x3FB9]  }
0x39: {  	_ = 	snop;
	(pc) =	sbr.ind lr, $3  }
0x3a: {  	_ = 	snop  }
0x3b: {  	_ = 	snop  }
0x3c: {  	p2 =	seq.s32 s10, $0x1;
	s10 =	sld [smem:$0x3FB8]  }
0x3d: {  	_ =	shalt  }
0x3e: {  	_ =	shalt  }
0x3f: {  	_ =	shalt  }
0x40: {  	_ =	shalt  }
0x41: {  	_ =	shalt  }
0x42: {  	_ =	shalt  }
0x43: {  	_ =	shalt  }
0x44: {  	_ =	shalt  }
0x45: {  	_ =	shalt  }
0x46: {  	_ =	shalt  }
0x47: {  	_ =	shalt  }
0x48: {  	_ =	shalt  }
0x49: {  	_ =	shalt  }
0x4a: {  	_ =	shalt  }
0x4b: {  	_ =	shalt  }
0x4c: {  	_ =	shalt  }
0x4d: {  	_ =	shalt  }
0x4e: {  	_ =	shalt  }
0x4f: {  	_ =	shalt  }
0x50: {  	_ =	shalt  }
0x51: {  	_ =	shalt  }
0x52: {  	_ =	shalt  }
0x53: {  	_ =	shalt  }
0x54: {  	_ =	shalt  }
0x55: {  	_ =	shalt  }
0x56: {  	_ =	shalt  }
0x57: {  	_ =	shalt  }
0x58: {  	_ =	shalt  }
0x59: {  	_ =	shalt  }
0x5a: {  	_ =	shalt  }
0x5b: {  	_ =	shalt  }
0x5c: {  	_ =	shalt  }
0x5d: {  	_ =	shalt  }
0x5e: {  	_ =	shalt  }
0x5f: {  	_ =	shalt  }
0x60: {  	_ =	shalt  }
0x61: {  	_ =	shalt  }
0x62: {  	_ =	shalt  }
0x63: {  	_ =	shalt  }
0x64: {  	_ =	shalt  }
0x65: {  	_ =	shalt  }
0x66: {  	_ =	shalt  }
0x67: {  	_ =	shalt  }
0x68: {  	_ =	shalt  }
0x69: {  	_ =	shalt  }
0x6a: {  	_ =	shalt  }
0x6b: {  	_ =	shalt  }
0x6c: {  	_ =	shalt  }
0x6d: {  	_ =	shalt  }
0x6e: {  	_ =	shalt  }
0x6f: {  	_ =	shalt  }
0x70: {  	_ =	shalt  }
0x71: {  	_ =	shalt  }
0x72: {  	_ =	shalt  }
0x73: {  	_ =	shalt  }
0x74: {  	_ =	shalt  }
0x75: {  	_ =	shalt  }
0x76: {  	_ =	shalt  }
0x77: {  	_ =	shalt  }
0x78: {  	_ =	shalt  }
0x79: {  	_ =	shalt  }
0x7a: {  	_ =	shalt  }
0x7b: {  	_ =	shalt  }
0x7c: {  	_ =	shalt  }
0x7d: {  	_ =	shalt  }
0x7e: {  	_ =	shalt  }
0x7f: {  	_ =	shalt  }
0x80: {  	_ =	shalt  }
0x81: {  	_ =	shalt  }
0x82: {  	_ =	shalt  }
0x83: {  	_ =	shalt  }
0x84: {  	_ =	shalt  }
0x85: {  	_ =	shalt  }
0x86: {  	_ =	shalt  }
0x87: {  	_ =	shalt  }
.Lfunc_end0:
.L_simem_size_0:
called_computation_lowered:
.L_overlay_start_0:
0x88: {  	s0 =	sld [smem:$0x3FD9]  }
0x89: {  	s1 =	sld [smem:$0x3FFE];
	_ =	sdelay $0x3  }
0x8a: {  	s0 =	sadd.s32 s1, s0  }
0x8b: {  	[smem:$0x3FC4] =	sst s0  }
0x8c: {  	_ = 	snop  }
0x8d: {  	s0 =	sld [smem:$0x3FC9]  }
0x8e: {  	s14 =	sld [smem:$0x3FD0]  }
0x8f: {  	s2 =	sld [smem:$0x3FC8]  }
0x90: {  	s3 =	sld [smem:$0x3FC7]  }
0x91: {  	s5 =	simm.s32 $0xA;
	s6 =	simm.s32 $0x10;
	s4 =	sld [smem:$0x3FC6]  }
0x92: {  	[smem:s6], [sflag:s5] =	dma.local [hbm:s14], $0x1  }
0x93: {  	_ =	swait.eq [sflag:s5], $0x1  }
0x94: {  	s15 =	sld [smem:$0x10];
	[sflag:s5] =	ssyncset.done $0x0  }
0x95: {  	s16 =	sld [smem:$0x11];
	[sflag:s5] =	ssyncadd.s32 $0xFFFFFFFF  }
0x96: {  	s17 =	sld [smem:$0x12];
	(tm) =	ssettm $0x1  }
0x97: {  	s7 =	sld [smem:$0x3FFB];
	_ =	sdelay $0x3  }
0x98: {  	_ =	strace s7  }
0x99: {  	s7 =	sld [smem:$0x3FFC];
	_ =	sdelay $0x3  }
0x9a: {  	_ =	strace s7  }
0x9b: {  	s7 =	sld [smem:$0x3FFD];
	_ =	sdelay $0x3  }
0x9c: {  	_ =	strace s7  }
0x9d: {  	_ =	strace $0x8FFFFFFF  }
0x9e: {  	s18 =	sld [smem:$0x3FDB];
	_ =	sdelay $0x1  }
0x9f: {  	s8 =	simm.s32 $_scs_section_size  }
0xa0: {  	s9 =	simm.s32 $_size__tile_overlayer_lowered;
	s10 =	simm.s32 $_tile_overlayer_lowered  }
0xa1: {  	s21 =	simm.s32 $0x1BFF;
	s20 =	sshll.u32 s10, $0x1;
	s7 =	sadd.s32 s8, s18  }
0xa2: {  	s11 =	simm.s32 $0x0;
	s19 =	sshll.u32 s9, $0x1;
	s9 =	sadd.s32 s20, s7  }
0xa3: {  	[timem:s11], [sflag:s21] =	dma.local [hbm:s9], s19  }
0xa4: {  	_ =	swait.ge [sflag:s21], s19  }
0xa5: {  	s8 =	ssub.s32 $0x0, s19;
	[sflag:s21] =	ssyncset.done $0x0  }
0xa6: {  	[sflag:s21] =	ssyncadd.s32 s8;
	_ =	sdelay $0x1  }
0xa7: {  	s22 =	simm.s32 $0x1B8B  }
0xa8: {  	_ =	swait.ge [sflag:s22], $0x1  }
0xa9: {  	[sflag:s22] =	ssyncset.done $0x0  }
0xaa: {  	s23 =	simm.s32 $0x1B8E;
	[sflag:s22] =	ssyncadd.s32 $0xFFFFFFFF  }
0xab: {  	s24 =	simm.s32 $execute0_lowered;
	[smem:$0x3FD2] =	sst s23  }
0xac: {  	s8 =	sshll.u32 s24, $0x1;
	_ =	strace $0x80000046;
	[dreg:$0x1] =	wrdreg $0xFFFFFFFF  }
0xad: {  	s25 =	simm.s32 $_size_execute0_lowered;
	s7 =	sadd.s32 s7, s8;
	[dreg:$0x0] =	wrdreg $0x0  }
0xae: {  	s8 =	sshll.u32 s25, $0x1;
	[dreg:$0x2] =	wrdreg s7  }
0xaf: {  	[dreg:$0x3] =	wrdreg s8  }
0xb0: {  	[dreg:$0x4] =	wrdreg $0xC0  }
0xb1: {  	_ =	task [dreg:s11], $0x5FFFF  }
0xb2: {  	[dreg:$0x1] =	wrdreg $0xFFFFFFFF  }
0xb3: {  	[dreg:$0x0] =	wrdreg $0x60  }
0xb4: {  	[dreg:$0x2] =	wrdreg s0  }
0xb5: {  	[dreg:$0x3] =	wrdreg s2  }
0xb6: {  	[dreg:$0x4] =	wrdreg s3  }
0xb7: {  	[dreg:$0x5] =	wrdreg s4  }
0xb8: {  	[dreg:$0x6] =	wrdreg s15  }
0xb9: {  	[dreg:$0x7] =	wrdreg s16  }
0xba: {  	[dreg:$0x8] =	wrdreg s17  }
0xbb: {  	[dreg:$0x9] =	wrdreg $0x9  }
0xbc: {  	_ =	task.clear_ibuf [dreg:s11], $0xAFFFF;
	_ =	strace $0x90000046  }
0xbd: {  	s26 =	simm.s32 $0x9;
	_ =	strace $0x80000048  }
0xbe: {  	_ =	swait.ge [sflag:s26], $0x1  }
0xbf: {  	[sflag:s26] =	ssyncadd.s32 $0xFFFFFFFF  }
0xc0: {  	_ =	strace $0x90000048  }
0xc1: {  	_ =	sfence  }
0xc2: {  	s28 =	sld [smem:$0x0];
	_ =	sdelay $0x1  }
0xc3: {  	s29 =	srdreg.scid  }
0xc4: {  	s30 =	sshll.u32 s29, $0xD;
	s31 =	sshrl.u32 s29, $0x2  }
0xc5: {  	s1 =	sand.u32 $0x1, s29;
	s2 =	sand.u32 $0x4000, s30;
	s0 =	sadd.s32 s31, s28  }
0xc6: {  	s1 =	sor.u32 s2, s1;
	s0 =	sshll.u32 s0, $0x11  }
0xc7: {  	s0 =	sor.u32 s0, s1  }
0xc8: {  	s0 =	sadd.s32 $0x8F2B, s0  }
0xc9: {  	[sflag:s0] =	ssyncadd.remote.s32 $0x1  }
0xca: {  	_ =	sfence.sel $0xFFFF  }
0xcb: {  	[dreg:$0x0] =	wrdreg $0xFFFFFFFF;
	(pc) =	sbr.abs _section_cstart, $3  }
0xcc: {  	[dreg:$0x1] =	wrdreg $0xFFFFFFFF  }
0xcd: {  	_ =	task.clear_ibuf [dreg:s11], $0x2FFFF;
	_ =	strace $0x9FFFFFFF  }
0xce: {  	(tm) =	ssettm $0x7FFFFFFF  }
0xcf: {  	_ =	shalt  }
tec
execute0_lowered:
.L_overlay_start_1:
0x0: {  	(tag) =	ssettag $0x1  }
0x1: {  	s6 =	rddreg [dreg:$0x0]  }
0x2: {  	s8 =	rddreg [dreg:$0x1]  }
0x3: {  	s9 =	rddreg [dreg:$0x2]  }
0x4: {  	s10 =	rddreg [dreg:$0x3]  }
0x5: {  	s2 =	rddreg [dreg:$0x4]  }
0x6: {  	s3 =	rddreg [dreg:$0x5];
	s1 =	stileid.u32  }
0x7: {  	s5 =	rddreg [dreg:$0x6];
	s11 =	sshrl.u32 s1, $0x3;
	s4 =	sshll.u32 s1, $0x7  }
0x8: {  	s0 =	rddreg [dreg:$0x7];
	s12 =	sand.u32 $0x380, s4;
	s31 =	sshll.u32 s11, $0xF  }
0x9: {  	s7 =	simm.s32 $0x0;
	s13 =	simm.s32 $0x80;
	s4 =	sor.u32 s12, s31  }
0xa: {  	s14 =	simm.s32 $0x400;
	[smem:$0x7FF] =	sst s7;
	s4 =	sshrl.u32 s4, $0x3  }
0xb: {  	s15 =	simm.s32 $0x1;
	_ =	strace $0x80000047;
	s6 =	sadd.s32 s6, s4  }
0xc: {  	[tilespmem:s7], [sflag:$0x1] =	stream.strided.gather [hbm4b:s6+s13], $0x1000, s14, s13, $0x38;
	[tilespmem:$0x5980] =	vst v63  }
0xd: {  	_ =	swait.ge [sflag:s15], $0x1000  }
0xe: {  	s17 =	simm.s32 $0x1000;
	[sflag:s15] =	ssyncset.done $0x0  }
0xf: {  	s16 =	smul.u32 $0x1400, s11;
	s8 =	sadd.s32 s8, s4;
	[sflag:s15] =	ssyncadd.s32 $0xFFFFF000  }
0x10: {  	[tilespmem:s17], [sflag:$0x1] =	stream.strided.gather [hbm4b:s8+s13], $0x1000, s14, s13, $0x38;
	[tilespmem:$0x5980] =	vst v63  }
0x11: {  	s18 =	sor.u32 s12, s16;
	_ =	swait.ge [sflag:s15], $0x1000  }
0x12: {  	s6 =	sshrl.u32 s18, $0x3;
	[sflag:s15] =	ssyncset.done $0x0  }
0x13: {  	s20 =	simm.s32 $0x4000;
	s19 =	sadd.s32 s9, s6;
	[sflag:s15] =	ssyncadd.s32 $0xFFFFF000  }
0x14: {  	[tilespmem:s20], [sflag:$0x1] =	stream.strided.gather [hbm4b:s19+s13], $0x280, s14, s13, $0x38;
	[tilespmem:$0x5980] =	vst v63  }
0x15: {  	_ =	swait.ge [sflag:s15], $0x280  }
0x16: {  	[sflag:s15] =	ssyncset.done $0x0  }
0x17: {  	s22 =	simm.s32 $0x3000;
	s21 =	sadd.s32 s10, s4;
	[sflag:s15] =	ssyncadd.s32 $0xFFFFFD80  }
0x18: {  	[tilespmem:s22], [sflag:$0x1] =	stream.strided.gather [hbm4b:s21+s13], $0x1000, s14, s13, $0x38;
	[tilespmem:$0x5980] =	vst v63  }
0x19: {  	_ =	swait.ge [sflag:s15], $0x1000  }
0x1a: {  	[sflag:s15] =	ssyncset.done $0x0  }
0x1b: {  	s23 =	simm.s32 $0x1040;
	[sflag:s15] =	ssyncadd.s32 $0xFFFFF000  }
0x1c: {  	v0 =	vld [tilespmem:s23+$0xFFFFFFC0]  }
0x1d: {  	v1 =	vld [tilespmem:s23+$0x30]  }
0x1e: {  	v2 =	vld [tilespmem:s23+$0xFFFFFFF0]  }
0x1f: {  	v4 =	vld [tilespmem:s23+$0x10]  }
0x20: {  	v7 =	vld [tilespmem:s23+$0xFFFFFFE0]  }
0x21: {  	v6 =	vld [tilespmem:s23+$0xFFFFFFD0]  }
0x22: {  	v8 =	vld [tilespmem:s23+$0x0]  }
0x23: {  	s24 =	simm.s32 $0x5;
	v18 =	vld [tilespmem:s23+$0x20]  }
0x24: {  	s25 =	simm.s32 $0x2;
	s26 =	simm.s32 $0x6;
	v3 =	vmov s24;
	v10 =	vld.idx.msk [tilespmem:v0+s7+$0x0], $0xffff  }
0x25: {  	s30 =	simm.s32 $0x4;
	v5 =	vmov s26;
	v9 =	vand.u32 $0xFFFFFFFD, v3;
	v3 =	vmov s25;
	v12 =	vld.idx.msk [tilespmem:v1+s7+$0x0], $0xffff  }
0x26: {  	v14 =	vmov s30;
	v11 =	vand.u32 $0xFFFFFFFE, v5;
	v3 =	vand.u32 $0xFFFFFFFA, v3;
	s31 =	simm.s32 $0x7;
	v13 =	vld.idx.msk [tilespmem:v2+s7+$0x0], $0xffff  }
0x27: {  	s28 =	simm.s32 $0x1;
	s29 =	simm.s32 $0x3;
	v5 =	vbroadcast v3, $0x0;
	v3 =	vbroadcast v11, $0x0;
	v17 =	vmov s31;
	v11 =	vld.idx.msk [tilespmem:v4+s7+$0x0], $0xffff  }
0x28: {  	v0 =	vmov s28;
	v1 =	vmov s29;
	v4 =	vimm.s32 $0x0;
	v7 =	vld.idx.msk [tilespmem:v7+s7+$0x0], $0xffff  }
0x29: {  	v16 =	vld.idx.msk [tilespmem:v6+s7+$0x0], $0xffff;
	v6 =	vbroadcast v9, $0x0;
	v0 =	vand.u32 $0xFFFFFFF9, v0;
	v2 =	vand.u32 $0xFFFFFFFB, v1  }
0x2a: {  	v8 =	vld.idx.msk [tilespmem:v8+s7+$0x0], $0xffff;
	v1 =	vbroadcast v0, $0x0;
	v0 =	vbroadcast v2, $0x0;
	v2 =	vand.u32 $0xFFFFFFFC, v14  }
0x2b: {  	v14 =	vmov s7;
	v2 =	vbroadcast v2, $0x0;
	v9 =	vadd.s32 $0xFFFFFF99, v10  }
0x2c: {  	vm0 =	vne.s32 v10, $0x0;
	vm4 =	vne.s32 v12, $0x0;
	vm1 =	vne.s32 v13, $0x0  }
0x2d: {  	v10 =	vadd.s32 $0xFFFFFF99, v12;
	v12 =	vadd.s32 $0xFFFFFF99, v7;
	vm8 =	vne.s32 v11, $0x0  }
0x2e: {  	vm2 =	vlt.u32 v9, $0xFFFFFFFE;
	v9 =	vadd.s32 $0xFFFFFF99, v13;
	vm5 =	vlt.u32 v10, $0xFFFFFFFE  }
0x2f: {  	v10 =	vand.u32 $0xFFFFFFF8, v14;
	v14 =	vadd.s32 $0xFFFFFF99, v8;
	vm3 =	vlt.u32 v9, $0xFFFFFFFE  }
0x30: {  	v9 =	vadd.s32 $0xFFFFFF99, v11;
	vm6 =	vmand vm0, vm2;
	vm0 =	vne.s32 v16, $0x0  }
0x31: {  	v10 =	vbroadcast v10, $0x0;
	vm4 =	vmand vm4, vm5;
	vm2 =	vne.s32 v8, $0x0  }
0x32: {  	s9 =	simm.s32 $0x2040;
	v13 =	vld.idx.msk [tilespmem:v18+s7+$0x0], $0xffff;
	vm7 =	vlt.u32 v9, $0xFFFFFFFE;
	v11 =	vsel vm4, $0x1, v4;
	v19 =	vmpcnt.ones.xlane vm4  }
0x33: {  	s8 =	simm.s32 $0x5780;
	v8 =	vadd.s32 $0xFFFFFF99, v16;
	v9 =	vmpcnt.ones.xlane vm6;
	vm4 =	vmand vm8, vm7;
	[tilespmem:s9+$0x30] =	vst v11  }
0x34: {  	s11 =	simm.s32 $0x10C0;
	s12 =	simm.s32 $0x2040;
	s10 =	simm.s32 $0x8;
	v15 =	vsel vm6, $0x1, v4;
	v16 =	vsel vm4, $0x1, v4;
	v11 =	vmpcnt.ones.xlane vm4;
	[tilespmem:v17+s8+$0x0] =	vst.idx.msk $0x1, v19  }
.LBB2_1:
0x35: {  	p0 =	slt.u32 s10, $0xF8  }
0x36: {  	v17 =	vld [tilespmem:s11+$0xFFFFFFC0];
	[tilespmem:s9+$0xFFFFFFC0] =	vst v15;
	vm4 =	vne.s32 v7, $0x0;
	vm5 =	vlt.u32 v12, $0xFFFFFFFE;
	vm1 =	vmand vm1, vm3;
	s12 =	sadd.s32 $0x80, s12;
	s13 =	smov.u32 s10;
	s10 =	sadd.s32 $0x8, s10  }
0x37: {  	vm3 =	vlt.u32 v14, $0xFFFFFFFE;
	vm6 =	vne.s32 v13, $0x0;
	v12 =	vadd.s32 $0xFFFFFF99, v13;
	v7 =	vld [tilespmem:s11+$0x30];
	[tilespmem:s9+$0x10] =	vst v16  }
0x38: {  	vm4 =	vmand vm4, vm5;
	vm5 =	vlt.u32 v12, $0xFFFFFFFE;
	v13 =	vld [tilespmem:s11+$0xFFFFFFF0];
	[tilespmem:v10+s8+$0x0] =	vst.idx.msk $0x1, v9;
	v9 =	vsel vm1, $0x1, v4  }
0x39: {  	vm2 =	vmand vm2, vm3;
	v12 =	vmpcnt.ones.xlane vm4;
	vm3 =	vmand vm6, vm5;
	v10 =	vld [tilespmem:s11+$0x10];
	[tilespmem:s9+$0xFFFFFFF0] =	vst v9  }
0x3a: {  	v15 =	vmpcnt.ones.xlane vm1;
	v14 =	vsel vm4, $0x1, v4;
	v16 =	vsel vm2, $0x1, v4;
	v9 =	vld [tilespmem:s11+$0xFFFFFFD0];
	[tilespmem:v6+s8+$0x0] =	vst.idx.msk $0x1, v11  }
0x3b: {  	s14 =	sadd.s32 $0x5, s13;
	vm1 =	vlt.u32 v8, $0xFFFFFFFE;
	v8 =	vmpcnt.ones.xlane vm2;
	v11 =	vsel vm3, $0x1, v4;
	v6 =	vld [tilespmem:s11+$0xFFFFFFE0];
	[tilespmem:s9+$0xFFFFFFE0] =	vst v14  }
0x3c: {  	vm0 =	vmand vm0, vm1;
	v14 =	vmov s14;
	v18 =	vld [tilespmem:s11+$0x20];
	[tilespmem:v5+s8+$0x0] =	vst.idx.msk $0x1, v12;
	v12 =	vmpcnt.ones.xlane vm3  }
0x3d: {  	s15 =	sadd.s32 $0x6, s13;
	v20 =	vmpcnt.ones.xlane vm0;
	s14 =	sadd.s32 $0x2, s13;
	v14 =	vand.u32 $0xFFFFFFFD, v14;
	v5 =	vsel vm0, $0x1, v4;
	v19 =	vld [tilespmem:s11+$0x0];
	[tilespmem:s9+$0x20] =	vst v11  }
0x3e: {  	s16 =	sadd.s32 $0x1, s13;
	v21 =	vmov s15;
	v11 =	vld.idx.msk [tilespmem:v17+s7+$0x0], $0xffff;
	v17 =	vmov s14;
	[tilespmem:s9+$0x0] =	vst v16  }
0x3f: {  	v21 =	vand.u32 $0xFFFFFFFE, v21;
	v16 =	vmov s16;
	s14 =	sadd.s32 $0x3, s13;
	v17 =	vand.u32 $0xFFFFFFFA, v17;
	v22 =	vld.idx.msk [tilespmem:v7+s7+$0x0], $0xffff;
	[tilespmem:s9+$0xFFFFFFD0] =	vst v5;
	s9 =	smov.u32 s12  }
0x40: {  	v7 =	vand.u32 $0xFFFFFFF9, v16;
	v16 =	vmov s14;
	s14 =	sadd.s32 $0x4, s13;
	v5 =	vbroadcast v17, $0x0;
	v13 =	vld.idx.msk [tilespmem:v13+s7+$0x0], $0xffff;
	[tilespmem:v3+s8+$0x0] =	vst.idx.msk $0x1, v12  }
0x41: {  	v12 =	vand.u32 $0xFFFFFFFB, v16;
	v16 =	vmov s14;
	v3 =	vbroadcast v21, $0x0;
	v10 =	vld.idx.msk [tilespmem:v10+s7+$0x0], $0xffff;
	[tilespmem:v1+s8+$0x0] =	vst.idx.msk $0x1, v20  }
0x42: {  	v1 =	vbroadcast v7, $0x0;
	v17 =	vld.idx.msk [tilespmem:v9+s7+$0x0], $0xffff;
	v9 =	vand.u32 $0xFFFFFFFC, v16;
	[tilespmem:v0+s8+$0x0] =	vst.idx.msk $0x1, v15;
	v0 =	vbroadcast v12, $0x0  }
0x43: {  	s14 =	sadd.s32 $0x7, s13;
	v7 =	vld.idx.msk [tilespmem:v6+s7+$0x0], $0xffff;
	v6 =	vbroadcast v14, $0x0;
	[tilespmem:v2+s8+$0x0] =	vst.idx.msk $0x1, v8;
	v2 =	vbroadcast v9, $0x0  }
0x44: {  	v20 =	vmov s14;
	v8 =	vadd.s32 $0xFFFFFF99, v11;
	v9 =	vmov s13  }
0x45: {  	vm0 =	vne.s32 v11, $0x0;
	vm2 =	vlt.u32 v8, $0xFFFFFFFE;
	vm4 =	vne.s32 v22, $0x0;
	v8 =	vld.idx.msk [tilespmem:v19+s7+$0x0], $0xffff  }
0x46: {  	v12 =	vadd.s32 $0xFFFFFF99, v22;
	vm1 =	vne.s32 v13, $0x0;
	v11 =	vadd.s32 $0xFFFFFF99, v13  }
0x47: {  	vm5 =	vlt.u32 v12, $0xFFFFFFFE;
	vm3 =	vlt.u32 v11, $0xFFFFFFFE;
	v11 =	vadd.s32 $0xFFFFFF99, v10  }
0x48: {  	vm6 =	vmand vm0, vm2;
	vm0 =	vne.s32 v17, $0x0;
	vm7 =	vlt.u32 v11, $0xFFFFFFFE  }
.Ltmp0:
0x49: {  	vm8 =	vne.s32 v10, $0x0;
	v11 =	vand.u32 $0xFFFFFFF8, v9;
	v12 =	vadd.s32 $0xFFFFFF99, v7;
	v13 =	vld.idx.msk [tilespmem:v18+s7+$0x0], $0xffff;
	(pc) =	sbr.rel @p0 .LBB2_1-.Ltmp0, $4  }
0x4a: {  	vm4 =	vmand vm4, vm5;
	v9 =	vmpcnt.ones.xlane vm6;
	v10 =	vbroadcast v11, $0x0  }
0x4b: {  	v11 =	vsel vm4, $0x1, v4;
	v18 =	vmpcnt.ones.xlane vm4;
	vm2 =	vne.s32 v8, $0x0  }
0x4c: {  	v15 =	vsel vm6, $0x1, v4;
	vm4 =	vmand vm8, vm7;
	v14 =	vadd.s32 $0xFFFFFF99, v8;
	[tilespmem:s12+$0x30] =	vst v11  }
0x4d: {  	s11 =	sadd.s32 $0x80, s11;
	v8 =	vadd.s32 $0xFFFFFF99, v17;
	v16 =	vsel vm4, $0x1, v4;
	v11 =	vmpcnt.ones.xlane vm4;
	[tilespmem:v20+s8+$0x0] =	vst.idx.msk $0x1, v18  }
0x4e: {  	_ =	sdelay $0x1  }
0x4f: {  	[tilespmem:s9+$0xFFFFFFC0] =	vst v15  }
0x50: {  	[tilespmem:s9+$0x10] =	vst v16  }
0x51: {  	vm1 =	vmand vm1, vm3;
	vm12 =	vne.s32 v7, $0x0;
	vm4 =	vlt.u32 v12, $0xFFFFFFFE;
	[tilespmem:v10+s8+$0x0] =	vst.idx.msk $0x1, v9  }
0x52: {  	vm14 =	vlt.u32 v14, $0xFFFFFFFE;
	v52 =	vsel vm1, $0x1, v4;
	vm3 =	vmand vm12, vm4;
	[tilespmem:v6+s8+$0x0] =	vst.idx.msk $0x1, v11  }
0x53: {  	vm15 =	vlt.u32 v8, $0xFFFFFFFE;
	vm2 =	vmand vm2, vm14;
	[tilespmem:s9+$0xFFFFFFF0] =	vst v52;
	v55 =	vsel vm3, $0x1, v4  }
0x54: {  	vm0 =	vmand vm0, vm15;
	v57 =	vsel vm2, $0x1, v4;
	[tilespmem:s9+$0xFFFFFFE0] =	vst v55  }
0x55: {  	v53 =	vadd.s32 $0xFFFFFF99, v13;
	v61 =	vmpcnt.ones.xlane vm1;
	v59 =	vsel vm0, $0x1, v4;
	[tilespmem:s9+$0x0] =	vst v57  }
0x56: {  	vm5 =	vne.s32 v13, $0x0;
	vm13 =	vlt.u32 v53, $0xFFFFFFFE;
	v54 =	vmpcnt.ones.xlane vm3;
	[tilespmem:s9+$0xFFFFFFD0] =	vst v59  }
0x57: {  	vm4 =	vmand vm5, vm13;
	[tilespmem:v0+s8+$0x0] =	vst.idx.msk $0x1, v61  }
0x58: {  	v60 =	vmpcnt.ones.xlane vm0;
	v56 =	vsel vm4, $0x1, v4;
	[tilespmem:v5+s8+$0x0] =	vst.idx.msk $0x1, v54  }
0x59: {  	v62 =	vmpcnt.ones.xlane vm2;
	[tilespmem:s9+$0x20] =	vst v56  }
0x5a: {  	v58 =	vmpcnt.ones.xlane vm4;
	[tilespmem:v1+s8+$0x0] =	vst.idx.msk $0x1, v60  }
0x5b: {  	[tilespmem:v2+s8+$0x0] =	vst.idx.msk $0x1, v62  }
0x5c: {  	s10 =	simm.s32 $0x0;
	[tilespmem:v3+s8+$0x0] =	vst.idx.msk $0x1, v58  }
0x5d: {  	v0 =	vld [tilespmem:s10+$0x5780];
	_ =	sdelay $0x4  }
0x5e: {  	(xrf0) =	vadd.scan.msk.s32 $0xffff, v0;
	_ =	sdelay $0x5  }
0x5f: {  	v63, _, _ =	vpop (xrf0)  }
0x60: {  	(v2sf) =	vpush v63, $0xF  }
0x61: {  	v0 =	vsub.s32 s7, v0  }
0x62: {  	v0 =	vadd.s32 v63, v0  }
0x63: {  	s9 =	simm.s32 $0x80;
	s8 =	simm.s32 $0x10;
	[tilespmem:s10+$0x5780] =	vst v0  }
.LBB2_3:
0x64: {  	p0 =	sne.s32 s9, $0x3C0;
	v0 =	vld [tilespmem:s8+$0x5780];
	_ =	sdelay $0x4  }
0x65: {  	(xrf0) =	vadd.scan.msk.s32 $0xffff, v0;
	_ =	sdelay $0x5  }
.Ltmp1:
0x66: {  	v1, _, _ =	vpop (xrf0);
	s10 =	spop (v2sf);
	(pc) =	sbr.rel @p0 .LBB2_3-.Ltmp1, $4  }
0x67: {  	(v2sf) =	vpush v1, $0xF;
	s7 =	sadd.s32 s7, s10  }
0x68: {  	v0 =	vsub.s32 s7, v0  }
0x69: {  	v0 =	vadd.s32 v1, v0  }
0x6a: {  	[tilespmem:s8+$0x5780] =	vst v0;
	s8 =	sshra.s32 s9, $0x2;
	s9 =	sadd.s32 $0x40, s9  }
0x6b: {  	v0 =	vld [tilespmem:s8+$0x5780];
	_ =	sdelay $0x4  }
0x6c: {  	(xrf0) =	vadd.scan.msk.s32 $0xffff, v0;
	_ =	sdelay $0x5  }
0x6d: {  	v1, _, _ =	vpop (xrf0)  }
0x6e: {  	(v2sf) =	vpush v1, $0xF;
	_ =	sdelay $0xd  }
0x6f: {  	s9 =	spop (v2sf)  }
0x70: {  	s9 =	sadd.s32 s7, s9;
	s31 =	spop (v2sf)  }
0x71: {  	s7 =	sadd.s32 s9, s31  }
0x72: {  	s10 =	scvt.s32.f32 s7;
	_ =	sdelay $0x1  }
0x73: {  	s10 =	smul.f32 $1.500000060e-01, s10;
	_ =	sdelay $0x1  }
0x74: {  	s10 =	scvt.f32.s32 s10;
	_ =	sdelay $0x1  }
0x75: {  	p0 =	slt.s32 s10, s7  }
0x76: {  	s7 =	smov.u32 @p0 s10  }
0x77: {  	p0 =	slt.s32 s7, $0x1  }
.Ltmp2:
0x78: {  	_ = 	snop;
	(pc) =	sbr.rel @p0 .LBB2_6-.Ltmp2, $4  }
0x79: {  	vm0 =	vcmask $0x300;
	v2 =	vsub.s32 s9, v0;
	v0 =	vimm.s32 $0x0  }
0x7a: {  	vm15 =	vcmask $0x704;
	v1 =	vadd.s32 v1, v2;
	v2 =	vsel vm0, $0x7FFFFFFF, v0  }
0x7b: {  	[tilespmem:s8+$0x5780] =	vst v1;
	v1 =	vsel vm15, $0xFFFFFFFF, v2  }
0x7c: {  	[tilespmem:$0x5900] =	vst v1  }
0x7d: {  	v1 =	vld [tilespmem:$0x5780]  }
0x7e: {  	v2 =	vld [tilespmem:$0x5790]  }
0x7f: {  	v3 =	vld [tilespmem:$0x57A0]  }
0x80: {  	s7 =	smin.u32 s7, $0x266;
	v4 =	vld [tilespmem:$0x57B0]  }
0x81: {  	v5 =	vld [tilespmem:$0x57C0];
	s8 =	sadd.s32 $0xFFFFFFFF, s7  }
0x82: {  	vm0 =	vle.s32 v1, s8;
	v1 =	vld [tilespmem:$0x57D0]  }
0x83: {  	vm12 =	vle.s32 v2, s8;
	v2 =	vld [tilespmem:$0x57E0];
	v6 =	vmpcnt.ones.xlane vm0  }
0x84: {  	vm13 =	vle.s32 v3, s8;
	v3 =	vld [tilespmem:$0x57F0];
	v7 =	vmpcnt.ones.xlane vm12  }
0x85: {  	v52 =	vld [tilespmem:$0x5800];
	vm14 =	vle.s32 v4, s8;
	v51 =	vmpcnt.ones.xlane vm13;
	(v2sf) =	vpush v6, $0x0  }
0x86: {  	v54 =	vld [tilespmem:$0x5810];
	vm15 =	vle.s32 v5, s8;
	v53 =	vmpcnt.ones.xlane vm14;
	(v2sf) =	vpush v7, $0x0  }
0x87: {  	v55 =	vmpcnt.ones.xlane vm15;
	(v2sf) =	vpush v51, $0x0;
	vm4 =	vle.s32 v1, s8;
	v1 =	vld [tilespmem:$0x5820]  }
0x88: {  	vm5 =	vle.s32 v2, s8;
	v2 =	vld [tilespmem:$0x5830];
	(v2sf) =	vpush v53, $0x0;
	v56 =	vmpcnt.ones.xlane vm4  }
0x89: {  	vm6 =	vle.s32 v3, s8;
	v3 =	vld [tilespmem:$0x5840];
	v57 =	vmpcnt.ones.xlane vm5;
	(v2sf) =	vpush v55, $0x0  }
0x8a: {  	v59 =	vld [tilespmem:$0x5850];
	vm7 =	vle.s32 v52, s8;
	v58 =	vmpcnt.ones.xlane vm6;
	(v2sf) =	vpush v56, $0x0  }
0x8b: {  	v61 =	vld [tilespmem:$0x5860];
	vm8 =	vle.s32 v54, s8;
	v60 =	vmpcnt.ones.xlane vm7;
	(v2sf) =	vpush v57, $0x0  }
0x8c: {  	v62 =	vmpcnt.ones.xlane vm8;
	(v2sf) =	vpush v58, $0x0;
	vm9 =	vle.s32 v1, s8;
	v1 =	vld [tilespmem:$0x5870]  }
0x8d: {  	vm1 =	vle.s32 v2, s8;
	(v2sf) =	vpush v60, $0x0;
	v2 =	vmpcnt.ones.xlane vm9  }
0x8e: {  	vm10 =	vle.s32 v3, s8;
	v3 =	vmpcnt.ones.xlane vm1;
	(v2sf) =	vpush v62, $0x0  }
0x8f: {  	vm11 =	vle.s32 v59, s8;
	(v2sf) =	vpush v2, $0x0;
	v2 =	vmpcnt.ones.xlane vm10  }
0x90: {  	vm12 =	vle.s32 v61, s8;
	(v2sf) =	vpush v3, $0x0;
	v3 =	vmpcnt.ones.xlane vm11  }
0x91: {  	(v2sf) =	vpush v2, $0x0;
	v2 =	vmpcnt.ones.xlane vm12;
	vm13 =	vle.s32 v1, s8  }
0x92: {  	(v2sf) =	vpush v3, $0x0;
	v1 =	vmpcnt.ones.xlane vm13  }
0x93: {  	(v2sf) =	vpush v2, $0x0  }
0x94: {  	s15 =	spop (v2sf);
	(v2sf) =	vpush v1, $0x0  }
0x95: {  	s9 =	spop (v2sf)  }
0x96: {  	s10 =	spop (v2sf);
	s8 =	sadd.s32 s15, s9  }
0x97: {  	s16 =	spop (v2sf);
	s8 =	sadd.s32 s8, s10  }
0x98: {  	s17 =	spop (v2sf);
	s8 =	sadd.s32 s8, s16  }
0x99: {  	s18 =	spop (v2sf);
	s8 =	sadd.s32 s8, s17  }
0x9a: {  	s19 =	spop (v2sf);
	s8 =	sadd.s32 s8, s18  }
0x9b: {  	s20 =	spop (v2sf);
	s8 =	sadd.s32 s8, s19  }
0x9c: {  	s21 =	spop (v2sf);
	s8 =	sadd.s32 s8, s20  }
0x9d: {  	s22 =	spop (v2sf);
	s8 =	sadd.s32 s8, s21  }
0x9e: {  	s23 =	spop (v2sf);
	s8 =	sadd.s32 s8, s22  }
0x9f: {  	s24 =	spop (v2sf);
	s8 =	sadd.s32 s8, s23  }
0xa0: {  	s25 =	spop (v2sf);
	s8 =	sadd.s32 s8, s24  }
0xa1: {  	s26 =	spop (v2sf);
	s8 =	sadd.s32 s8, s25  }
0xa2: {  	s28 =	spop (v2sf);
	s8 =	sadd.s32 s8, s26  }
0xa3: {  	s8 =	sadd.s32 s8, s28;
	s29 =	spop (v2sf)  }
0xa4: {  	s8 =	sadd.s32 s8, s29  }
0xa5: {  	s9 =	sshll.u32 s8, $0x4  }
0xa6: {  	v1 =	vld [tilespmem:s9+$0x1FF0];
	_ =	sdelay $0x4  }
0xa7: {  	(xrf0) =	vadd.scan.msk.s32 $0xffff, v1  }
0xa8: {  	v2 =	vld.msk [tilespmem:s8+$0x577F ss:$0x0], $0xffff  }
0xa9: {  	v3 =	vld [tilespmem:s9+$0xFF0];
	_ =	sdelay $0x3  }
0xaa: {  	v63, _, _ =	vpop (xrf0)  }
0xab: {  	v2 =	vadd.s32 v2, v63  }
0xac: {  	vm14 =	veq.s32 v1, $0x1;
	vm15 =	veq.s32 v2, s7  }
0xad: {  	s30 =	simm.s32 $0x3000;
	vm0 =	vmand vm14, vm15  }
0xae: {  	v1 =	vld.idx.msk [tilespmem:v3+s30+$0x0], $0xffff  }
0xaf: {  	v2 =	vimm.s32 $0x1;
	_ =	sdelay $0x2  }
0xb0: {  	s31 =	simm.s32 $0x5900  }
0xb1: {  	[tilespmem:v0+s31+$0x0] =	vst.idx.msk vm0, v1  }
0xb2: {  	[tilespmem:v2+s31+$0x0] =	vst.idx.msk vm0, v3  }
0xb3: {  	v1 =	vld [tilespmem:$0x5900]  }
.LBB2_6:
0xb4: {  	s4 =	sadd.s32 s2, s4  }
0xb5: {  	s3 =	sadd.s32 s3, s6;
	s2 =	sadd.s32 s5, s6;
	s6 =	simm.s32 $0x52C0  }
0xb6: {  	[tilespmem:s6+$0x30] =	vst v0  }
0xb7: {  	[tilespmem:s6+$0xFFFFFFF0] =	vst v0  }
0xb8: {  	[tilespmem:s6+$0xFFFFFFC0] =	vst v0  }
0xb9: {  	[tilespmem:s6+$0xFFFFFFE0] =	vst v0  }
0xba: {  	[tilespmem:s6+$0x10] =	vst v0  }
0xbb: {  	[tilespmem:s6+$0x20] =	vst v0  }
0xbc: {  	[tilespmem:s6+$0x0] =	vst v0  }
0xbd: {  	s5 =	simm.s32 $0x5540;
	[tilespmem:s6+$0xFFFFFFD0] =	vst v0  }
0xbe: {  	[tilespmem:s5+$0xFFFFFFC0] =	vst v0  }
0xbf: {  	[tilespmem:s5+$0x30] =	vst v0  }
0xc0: {  	[tilespmem:s5+$0x20] =	vst v0  }
0xc1: {  	[tilespmem:s5+$0x10] =	vst v0  }
0xc2: {  	[tilespmem:s5+$0xFFFFFFE0] =	vst v0  }
0xc3: {  	[tilespmem:s5+$0x0] =	vst v0  }
0xc4: {  	s7 =	simm.s32 $0x0;
	[tilespmem:s5+$0xFFFFFFF0] =	vst v0  }
.LBB2_7:
0xc5: {  	s7 =	sadd.s32 $0x8, s7;
	[tilespmem:s5+$0xFFFFFFD0] =	vst v0;
	s6 =	sadd.s32 $0x80, s6;
	s5 =	sadd.s32 $0x80, s5  }
0xc6: {  	[tilespmem:s6+$0x30] =	vst v0;
	p0 =	slt.u32 s7, $0x20  }
0xc7: {  	[tilespmem:s6+$0xFFFFFFF0] =	vst v0  }
0xc8: {  	[tilespmem:s6+$0xFFFFFFC0] =	vst v0  }
0xc9: {  	[tilespmem:s5+$0xFFFFFFC0] =	vst v0  }
0xca: {  	[tilespmem:s5+$0x30] =	vst v0  }
0xcb: {  	[tilespmem:s6+$0xFFFFFFE0] =	vst v0  }
0xcc: {  	[tilespmem:s6+$0x10] =	vst v0  }
0xcd: {  	[tilespmem:s6+$0x20] =	vst v0  }
0xce: {  	[tilespmem:s5+$0x20] =	vst v0  }
0xcf: {  	[tilespmem:s5+$0x10] =	vst v0  }
.Ltmp3:
0xd0: {  	[tilespmem:s5+$0xFFFFFFE0] =	vst v0;
	(pc) =	sbr.rel @p0 .LBB2_7-.Ltmp3, $4  }
0xd1: {  	[tilespmem:s6+$0x0] =	vst v0  }
0xd2: {  	[tilespmem:s5+$0x0] =	vst v0  }
0xd3: {  	[tilespmem:s5+$0xFFFFFFF0] =	vst v0  }
0xd4: {  	[tilespmem:s6+$0xFFFFFFD0] =	vst v0  }
0xd5: {  	[tilespmem:s5+$0xFFFFFFD0] =	vst v0;
	s8 =	simm.s32 $0x40  }
0xd6: {  	s9 =	simm.s32 $0x3040;
	v4 =	vld [tilespmem:s8+$0xFFFFFFD0]  }
0xd7: {  	v5 =	vld [tilespmem:s9+$0xFFFFFFC0]  }
0xd8: {  	v0 =	vbroadcast v1, $0x0;
	v3 =	vlaneseq.u32;
	s11 =	simm.s32 $0x10;
	v7 =	vld [tilespmem:s9+$0x10]  }
0xd9: {  	v2 =	vbroadcast v1, $0x1;
	v1 =	vimm.s32 $0x0;
	s12 =	simm.s32 $0x40;
	s13 =	simm.s32 $0x60;
	s14 =	simm.s32 $0x0;
	v6 =	vor.u32 s11, v3;
	v11 =	vld [tilespmem:s9+$0x30]  }
0xda: {  	s22 =	simm.s32 $0x20;
	s15 =	simm.s32 $0x30;
	s23 =	simm.s32 $0x50;
	v8 =	vor.u32 s12, v3;
	v9 =	vor.u32 s13, v3;
	v10 =	vor.u32 s14, v3;
	v15 =	vld [tilespmem:s8+$0x10]  }
0xdb: {  	s10 =	simm.s32 $0x70;
	v12 =	vor.u32 s22, v3;
	v13 =	vor.u32 s15, v3;
	v14 =	vor.u32 s23, v3  }
0xdc: {  	vm3 =	vle.s32 v8, v2;
	v8 =	vld [tilespmem:s8+$0x0];
	vm4 =	vle.s32 v14, v2;
	v14 =	vor.u32 s10, v3  }
0xdd: {  	vm0 =	vle.s32 v10, v2;
	vm7 =	vle.s32 v14, v2;
	v16 =	vadd.s32 $0xFFFFFF99, v4  }
0xde: {  	v10 =	vld [tilespmem:s8+$0x20];
	vm2 =	vne.s32 v4, $0x0;
	vm1 =	veq.s32 v5, v0;
	vm5 =	vgt.s32 v7, v0  }
0xdf: {  	v14 =	vld [tilespmem:s8+$0xFFFFFFF0];
	vm6 =	veq.s32 v11, v0;
	vm8 =	vgt.s32 v11, v0;
	vm10 =	vne.s32 v15, $0x0  }
0xe0: {  	vm1 =	vmand vm0, vm1;
	vm0 =	veq.s32 v7, v0;
	v7 =	vadd.s32 $0xFFFFFF99, v15  }
0xe1: {  	v4 =	vld [tilespmem:s9+$0x0];
	vm6 =	vmand vm7, vm6;
	v11 =	vadd.s32 $0xFFFFFF99, v8;
	vm13 =	vlt.u32 v16, $0xFFFFFFFE  }
0xe2: {  	v62 =	vld [tilespmem:s9+$0xFFFFFFF0];
	vm12 =	vne.s32 v8, $0x0;
	vm4 =	vmand vm4, vm0;
	vm0 =	vmor vm8, vm6  }
0xe3: {  	v8 =	vld [tilespmem:s9+$0x20];
	vm2 =	vmand vm2, vm13;
	vm15 =	vlt.u32 v7, $0xFFFFFFFE;
	vm8 =	vne.s32 v10, $0x0  }
0xe4: {  	vm9 =	vlt.u32 v11, $0xFFFFFFFE;
	vm6 =	vle.s32 v13, v2;
	v11 =	vadd.s32 $0xFFFFFF99, v14  }
0xe5: {  	v7 =	vld [tilespmem:s8+$0xFFFFFFC0];
	v10 =	vadd.s32 $0xFFFFFF99, v10;
	vm13 =	vne.s32 v14, $0x0;
	vm5 =	vmor vm5, vm4  }
0xe6: {  	vm4 =	vmand vm12, vm9;
	vm12 =	vlt.u32 v10, $0xFFFFFFFE;
	vm14 =	veq.s32 v4, v0  }
0xe7: {  	vm8 =	vmand vm8, vm12;
	vm7 =	vmand vm3, vm14;
	vm3 =	vmand vm10, vm15  }
0xe8: {  	vm14 =	vlt.u32 v11, $0xFFFFFFFE;
	vm15 =	veq.s32 v62, v0;
	vm12 =	veq.s32 v8, v0  }
0xe9: {  	vm3 =	vmand vm3, vm5;
	vm5 =	vmand vm13, vm14;
	vm6 =	vmand vm6, vm15  }
0xea: {  	v10 =	vld [tilespmem:s8+$0xFFFFFFE0];
	vm13 =	vgt.s32 v62, v0;
	vm14 =	vle.s32 v9, v2;
	v9 =	vadd.s32 $0xFFFFFF99, v7  }
0xeb: {  	s25 =	simm.s32 $0x6;
	vm11 =	vgt.s32 v8, v0;
	vm6 =	vmor vm13, vm6;
	vm15 =	vlt.u32 v9, $0xFFFFFFFE  }
0xec: {  	vm13 =	vne.s32 v7, $0x0;
	v9 =	vmov s25;
	v13 =	vmpcnt.ones.xlane vm3  }
0xed: {  	vm5 =	vmand vm5, vm6;
	vm6 =	vmand vm14, vm12;
	vm14 =	vgt.s32 v4, v0  }
0xee: {  	s24 =	simm.s32 $0x3;
	v11 =	vld [tilespmem:s9+$0xFFFFFFD0];
	vm9 =	vmand vm13, vm15;
	vm15 =	vle.s32 v6, v2;
	vm12 =	vgt.s32 v5, v0  }
0xef: {  	v5 =	vadd.s32 $0xFFFFFF99, v10;
	v6 =	vmov s24;
	v9 =	vand.u32 $0xFFFFFFFE, v9  }
0xf0: {  	v7 =	vsel vm5, $0x1, v1;
	v14 =	vmpcnt.ones.xlane vm5;
	vm5 =	vmor vm14, vm7  }
0xf1: {  	vm6 =	vmor vm11, vm6;
	vm14 =	vne.s32 v10, $0x0;
	vm1 =	vmor vm12, vm1  }
0xf2: {  	vm11 =	vle.s32 v12, v2;
	v63 =	vbroadcast v9, $0x0;
	v9 =	vsel vm3, $0x1, v1  }
0xf3: {  	s6 =	simm.s32 $0x2040;
	s29 =	simm.s32 $0x1;
	v4 =	vld [tilespmem:s9+$0xFFFFFFE0];
	vm4 =	vmand vm4, vm5;
	vm13 =	veq.s32 v11, v0;
	vm6 =	vmand vm8, vm6  }
0xf4: {  	vm1 =	vmand vm9, vm1;
	[tilespmem:s6+$0xFFFFFFF0] =	vst v7;
	v7 =	vmov s29;
	vm5 =	vmand vm15, vm13  }
0xf5: {  	vm15 =	vlt.u32 v5, $0xFFFFFFFE;
	v5 =	vsel vm6, $0x1, v1;
	v10 =	vmpcnt.ones.xlane vm6  }
0xf6: {  	s26 =	simm.s32 $0x4;
	v15 =	vsel vm1, $0x1, v1;
	v8 =	vmpcnt.ones.xlane vm1;
	vm1 =	vgt.s32 v11, v0  }
0xf7: {  	v11 =	vmov s26;
	v17 =	vsel vm4, $0x1, v1;
	v18 =	vmpcnt.ones.xlane vm4  }
0xf8: {  	vm12 =	veq.s32 v4, v0;
	vm13 =	vgt.s32 v4, v0;
	v4 =	vand.u32 $0xFFFFFFFB, v6;
	v6 =	vld [tilespmem:s8+$0x30]  }
0xf9: {  	s5 =	simm.s32 $0x0;
	vm8 =	vmand vm14, vm15;
	vm5 =	vmor vm1, vm5;
	v4 =	vbroadcast v4, $0x0  }
0xfa: {  	v11 =	vand.u32 $0xFFFFFFFC, v11;
	[tilespmem:s6+$0x20] =	vst v5;
	v5 =	vmov s5;
	vm2 =	vmand vm2, vm5  }
0xfb: {  	v19 =	vbroadcast v11, $0x0;
	v5 =	vand.u32 $0xFFFFFFF8, v5;
	vm6 =	vmand vm11, vm12  }
0xfc: {  	s7 =	simm.s32 $0x5780;
	s30 =	simm.s32 $0x5;
	[tilespmem:s6+$0x10] =	vst v9;
	v9 =	vmpcnt.ones.xlane vm2;
	v5 =	vbroadcast v5, $0x0;
	vm6 =	vmor vm13, vm6  }
0xfd: {  	[tilespmem:v63+s7+$0x0] =	vst.idx.msk $0x1, v10;
	v10 =	vmov s30;
	vm1 =	vmand vm8, vm6;
	v12 =	vadd.s32 $0xFFFFFF99, v6  }
0xfe: {  	s28 =	simm.s32 $0x2;
	vm14 =	vne.s32 v6, $0x0;
	vm15 =	vlt.u32 v12, $0xFFFFFFFE;
	v12 =	vsel vm2, $0x1, v1  }
0xff: {  	s31 =	simm.s32 $0x7;
	vm4 =	vmand vm14, vm15;
	[tilespmem:v4+s7+$0x0] =	vst.idx.msk $0x1, v14;
	v4 =	vmov s28;
	v14 =	vand.u32 $0xFFFFFFF9, v7  }
0x100: {  	[tilespmem:s6+$0xFFFFFFC0] =	vst v15;
	v7 =	vand.u32 $0xFFFFFFFD, v10;
	v10 =	vmov s31;
	vm0 =	vmand vm4, vm0  }
0x101: {  	s11 =	simm.s32 $0xC0;
	s12 =	simm.s32 $0x30C0;
	[tilespmem:s6+$0x0] =	vst v17;
	v4 =	vand.u32 $0xFFFFFFFA, v4;
	v7 =	vbroadcast v7, $0x0;
	v14 =	vbroadcast v14, $0x0  }
0x102: {  	s10 =	simm.s32 $0xF0;
	s9 =	simm.s32 $0x20C0;
	s8 =	simm.s32 $0x8;
	[tilespmem:v19+s7+$0x0] =	vst.idx.msk $0x1, v18;
	v11 =	vsel vm0, $0x1, v1;
	v6 =	vmpcnt.ones.xlane vm0;
	v4 =	vbroadcast v4, $0x0  }
.LBB2_9:
0x103: {  	v15 =	vmov s8;
	v54 =	vimm.s32 $0x0  }
0x104: {  	s13 =	sadd.s32 $0xFFFFFFA0, s10;
	s14 =	sadd.s32 $0xFFFFFFD0, s10;
	v60 =	vor.u32 s10, v3;
	v63 =	vimm.s32 $0x0;
	[tilespmem:v5+s7+$0x0] =	vst.idx.msk $0x1, v8;
	v5 =	vsel vm1, $0x1, v1  }
0x105: {  	v16 =	vld [tilespmem:s11+$0xFFFFFFD0];
	s15 =	sadd.s32 $0xFFFFFFF0, s10;
	s16 =	sadd.s32 $0xFFFFFF90, s10;
	s22 =	sadd.s32 $0xFFFFFFB0, s10;
	v8 =	vmpcnt.ones.xlane vm1;
	v17 =	vor.u32 s13, v3;
	v18 =	vor.u32 s14, v3  }
0x106: {  	s17 =	sadd.s32 $0xFFFFFFC0, s10;
	[tilespmem:s6+$0xFFFFFFD0] =	vst v12;
	s25 =	sadd.s32 $0xFFFFFFE0, s10;
	v19 =	vor.u32 s15, v3;
	v12 =	vor.u32 s16, v3;
	v20 =	vor.u32 s22, v3  }
0x107: {  	s29 =	sadd.s32 $0x6, s8;
	v21 =	vor.u32 s17, v3;
	[tilespmem:v7+s7+$0x0] =	vst.idx.msk $0x1, v13;
	v13 =	vimm.s32 $0x0;
	v53 =	vor.u32 s25, v3  }
0x108: {  	[tilespmem:s6+$0x30] =	vst v11;
	v58 =	vld [tilespmem:s11+$0x0];
	v22 =	vmov s29;
	vm12 =	vle.s32 v60, v2;
	vm0 =	vle.s32 v20, v2  }
0x109: {  	v55 =	vld [tilespmem:s12+$0x30];
	[tilespmem:s6+$0xFFFFFFE0] =	vst v5;
	vm9 =	vle.s32 v18, v2;
	vm1 =	vle.s32 v19, v2;
	v5 =	vimm.s32 $0x0  }
0x10a: {  	s23 =	sadd.s32 $0x3, s8;
	v7 =	vld [tilespmem:s12+$0xFFFFFFC0];
	vm7 =	vle.s32 v53, v2;
	v13 =	vsel vm0, $0xFFFFFFFF, v13;
	vm0 =	vle.s32 v17, v2  }
0x10b: {  	v5 =	vsel vm1, $0xFFFFFFFF, v5;
	[tilespmem:$0x1FFE0] =	vst v13;
	v13 =	vmov s23;
	v17 =	vsel vm0, $0xFFFFFFFF, v54  }
0x10c: {  	vm0 =	vle.s32 v12, v2;
	[tilespmem:$0x1FFA0] =	vst v5;
	v5 =	vand.u32 $0xFFFFFFFE, v22;
	v13 =	vand.u32 $0xFFFFFFFB, v13  }
0x10d: {  	[tilespmem:v4+s7+$0x0] =	vst.idx.msk $0x1, v8;
	v8 =	vld [tilespmem:s11+$0xFFFFFFC0];
	v11 =	vadd.s32 $0xFFFFFF99, v16;
	v56 =	vbroadcast v5, $0x0;
	v5 =	vimm.s32 $0x0  }
0x10e: {  	[tilespmem:v10+s7+$0x0] =	vst.idx.msk $0x1, v6;
	v12 =	vld [tilespmem:s11+$0x10];
	v62 =	vadd.s32 $0xFFFFFF99, v58;
	v10 =	vbroadcast v13, $0x0;
	vm11 =	veq.s32 v55, v0  }
0x10f: {  	v13 =	vld [tilespmem:s12+$0x10];
	vm13 =	vgt.s32 v55, v0;
	vm4 =	vlt.u32 v11, $0xFFFFFFFE;
	vm1 =	vgt.s32 v7, v0  }
0x110: {  	s26 =	sadd.s32 $0x1, s8;
	vm5 =	vlt.u32 v62, $0xFFFFFFFE;
	vm3 =	veq.s32 v7, v0;
	v5 =	vsel vm1, $0xFFFFFFFF, v5  }
0x111: {  	v7 =	vmov s26;
	vm0 =	vmand vm0, vm3;
	[tilespmem:$0x1FFC0] =	vst v5;
	v5 =	vimm.s32 $0x0  }
0x112: {  	v11 =	vld [tilespmem:s11+$0xFFFFFFF0];
	vm11 =	vmand vm12, vm11;
	v59 =	vand.u32 $0xFFFFFFF9, v7;
	v5 =	vsel vm0, $0xFFFFFFFF, v5  }
0x113: {  	v23 =	vadd.s32 $0xFFFFFF99, v8;
	vm1 =	vmor vm13, vm11;
	[tilespmem:$0x1FFD0] =	vst v5;
	v5 =	vand.u32 $0xFFFFFFF8, v15;
	v15 =	vld [tilespmem:s12+$0x0]  }
0x114: {  	v7 =	vadd.s32 $0xFFFFFF99, v12;
	vm10 =	vlt.u32 v23, $0xFFFFFFFE;
	vm3 =	veq.s32 v13, v0  }
0x115: {  	[tilespmem:v14+s7+$0x0] =	vst.idx.msk $0x1, v9;
	v9 =	vld [tilespmem:s12+$0xFFFFFFF0];
	v23 =	vsel vm1, $0xFFFFFFFF, v63;
	vm0 =	vgt.s32 v13, v0;
	vm7 =	vmand vm7, vm3  }
0x116: {  	vm12 =	vne.s32 v12, $0x0;
	vm14 =	vmor vm0, vm7;
	vm7 =	vne.s32 v58, $0x0  }
0x117: {  	v13 =	vld [tilespmem:s12+$0xFFFFFFD0];
	vm1 =	vne.s32 v11, $0x0;
	vm0 =	vlt.u32 v7, $0xFFFFFFFE;
	vm11 =	vmand vm7, vm5  }
0x118: {  	vm13 =	veq.s32 v15, v0;
	vm5 =	vgt.s32 v15, v0;
	v15 =	vadd.s32 $0xFFFFFF99, v11  }
0x119: {  	vm13 =	vmand vm9, vm13;
	vm9 =	vmand vm12, vm0;
	vm0 =	vlt.u32 v15, $0xFFFFFFFE  }
0x11a: {  	vm3 =	vle.s32 v21, v2;
	vm2 =	vmand vm1, vm0;
	vm1 =	veq.s32 v9, v0  }
0x11b: {  	v24 =	vld [tilespmem:s12+$0x20];
	vm8 =	vgt.s32 v9, v0;
	vm9 =	vmand vm9, vm14;
	vm1 =	vmand vm3, vm1  }
0x11c: {  	vm14 =	veq.s32 v13, v0;
	vm1 =	vmor vm8, vm1;
	vm8 =	vgt.s32 v13, v0;
	v13 =	vld [tilespmem:$0x1FFA0]  }
0x11d: {  	s24 =	sadd.s32 $0x4, s8;
	s30 =	smov.u32 s8  }
0x11e: {  	v14 =	vmov s24;
	s31 =	sadd.s32 $0x2, s30  }
0x11f: {  	v14 =	vand.u32 $0xFFFFFFFC, v14;
	v6 =	vmov s31  }
0x120: {  	v4 =	vand.u32 $0xFFFFFFFA, v6;
	v6 =	vbroadcast v14, $0x0;
	vm1 =	vmand vm2, vm1  }
0x121: {  	vm3 =	veq.s32 v24, v0;
	vm2 =	vnez.u8 v13;
	v13 =	vmpcnt.ones.xlane vm1  }
0x122: {  	v14 =	vld [tilespmem:s11+$0x20];
	vm2 =	vmand vm2, vm3;
	vm3 =	vne.s32 v8, $0x0;
	v8 =	vsel vm1, $0x1, v1  }
0x123: {  	[tilespmem:s9+$0xFFFFFFF0] =	vst v8  }
0x124: {  	[tilespmem:v10+s7+$0x0] =	vst.idx.msk $0x1, v13;
	v10 =	vld [tilespmem:$0x1FFC0]  }
0x125: {  	v61 =	vld [tilespmem:s11+$0xFFFFFFE0]  }
0x126: {  	v57 =	vld [tilespmem:s11+$0x30];
	v4 =	vbroadcast v4, $0x0  }
0x127: {  	vm6 =	vne.s32 v16, $0x0;
	vm15 =	vne.s32 v14, $0x0;
	v14 =	vadd.s32 $0xFFFFFF99, v14  }
0x128: {  	s28 =	sadd.s32 $0x5, s8;
	vm6 =	vmand vm6, vm4;
	vm4 =	vgt.s32 v24, v0;
	vm0 =	vlt.u32 v14, $0xFFFFFFFE  }
0x129: {  	[tilespmem:$0x1FFB0] =	vst v17;
	v7 =	vmov s28;
	vm0 =	vmand vm15, vm0;
	vm15 =	vnez.u8 v10;
	v10 =	vld [tilespmem:$0x1FFD0]  }
0x12a: {  	v12 =	vadd.s32 $0xFFFFFF99, v61;
	v5 =	vbroadcast v5, $0x0;
	v7 =	vand.u32 $0xFFFFFFFD, v7;
	v8 =	vld [tilespmem:$0x1FFB0]  }
0x12b: {  	vm7 =	vne.s32 v57, $0x0;
	v7 =	vbroadcast v7, $0x0;
	v11 =	vld [tilespmem:s12+$0xFFFFFFE0];
	v9 =	vsel vm9, $0x1, v1  }
0x12c: {  	vm12 =	vne.s32 v61, $0x0;
	v14 =	vbroadcast v59, $0x0;
	[tilespmem:s9+$0x10] =	vst v9;
	v9 =	vadd.s32 $0xFFFFFF99, v57  }
0x12d: {  	vm1 =	vmand vm3, vm10;
	vm3 =	vmor vm5, vm13;
	vm13 =	vlt.u32 v12, $0xFFFFFFFE  }
0x12e: {  	vm2 =	vmor vm4, vm2;
	vm4 =	vmand vm12, vm13;
	vm12 =	vnez.u8 v10;
	v10 =	vld [tilespmem:$0x1FFE0]  }
0x12f: {  	vm3 =	vmand vm11, vm3;
	vm0 =	vmand vm0, vm2;
	vm2 =	vnez.u8 v8  }
0x130: {  	[tilespmem:$0x1FFF0] =	vst v23;
	vm13 =	veq.s32 v11, v0;
	v8 =	vsel vm0, $0x1, v1;
	vm2 =	vmand vm2, vm14  }
0x131: {  	v13 =	vld [tilespmem:$0x1FFF0];
	[tilespmem:s9+$0x20] =	vst v8;
	v8 =	vmpcnt.ones.xlane vm0;
	vm5 =	vmor vm15, vm12;
	vm15 =	vlt.u32 v9, $0xFFFFFFFE  }
0x132: {  	v9 =	vsel vm3, $0x1, v1;
	vm0 =	vmand vm1, vm5;
	vm1 =	vgt.s32 v11, v0  }
0x133: {  	p0 =	slt.u32 s8, $0xF8;
	[tilespmem:v56+s7+$0x0] =	vst.idx.msk $0x1, v8;
	v11 =	vmpcnt.ones.xlane vm3;
	v8 =	vmpcnt.ones.xlane vm0;
	vm14 =	vnez.u8 v10  }
.Ltmp4:
0x134: {  	s13 =	sadd.s32 $0x7, s30;
	v10 =	vsel vm0, $0x1, v1;
	vm0 =	vmor vm8, vm2;
	vm2 =	vmand vm7, vm15;
	(pc) =	sbr.rel @p0 .LBB2_9-.Ltmp4, $4  }
0x135: {  	vm5 =	vmand vm14, vm13;
	[tilespmem:s9+$0xFFFFFFC0] =	vst v10;
	v10 =	vmov s13;
	vm0 =	vmand vm6, vm0  }
0x136: {  	[tilespmem:s9+$0x0] =	vst v9;
	v12 =	vsel vm0, $0x1, v1;
	v9 =	vmpcnt.ones.xlane vm0;
	vm0 =	vnez.u8 v13  }
0x137: {  	s8 =	sadd.s32 $0x8, s8;
	s10 =	sadd.s32 $0x80, s10;
	s6 =	smov.u32 s9;
	vm1 =	vmor vm1, vm5;
	v13 =	vmpcnt.ones.xlane vm9;
	vm0 =	vmand vm2, vm0  }
0x138: {  	s11 =	sadd.s32 $0x80, s11;
	s12 =	sadd.s32 $0x80, s12;
	[tilespmem:v6+s7+$0x0] =	vst.idx.msk $0x1, v11;
	s9 =	sadd.s32 $0x80, s9;
	vm1 =	vmand vm4, vm1;
	v11 =	vsel vm0, $0x1, v1;
	v6 =	vmpcnt.ones.xlane vm0  }
0x139: {  	_ =	sdelay $0x3  }
0x13a: {  	[tilespmem:v5+s7+$0x0] =	vst.idx.msk $0x1, v8  }
0x13b: {  	[tilespmem:s6+$0xFFFFFFD0] =	vst v12  }
0x13c: {  	[tilespmem:v7+s7+$0x0] =	vst.idx.msk $0x1, v13  }
0x13d: {  	[tilespmem:s6+$0x30] =	vst v11  }
0x13e: {  	[tilespmem:v14+s7+$0x0] =	vst.idx.msk $0x1, v9  }
0x13f: {  	v0 =	vsel vm1, $0x1, v1;
	v62 =	vmpcnt.ones.xlane vm1;
	[tilespmem:v10+s7+$0x0] =	vst.idx.msk $0x1, v6  }
0x140: {  	[tilespmem:s6+$0xFFFFFFE0] =	vst v0  }
0x141: {  	s8 =	simm.s32 $0x0;
	[tilespmem:v4+s7+$0x0] =	vst.idx.msk $0x1, v62  }
0x142: {  	v0 =	vld [tilespmem:s8+$0x5780];
	_ =	sdelay $0x4  }
0x143: {  	(xrf0) =	vadd.scan.msk.s32 $0xffff, v0;
	_ =	sdelay $0x5  }
0x144: {  	v63, _, _ =	vpop (xrf0)  }
0x145: {  	(v2sf) =	vpush v63, $0xF  }
0x146: {  	v0 =	vsub.s32 s5, v0  }
0x147: {  	v0 =	vadd.s32 v63, v0  }
0x148: {  	s6 =	simm.s32 $0x10;
	s7 =	simm.s32 $0x80;
	[tilespmem:s8+$0x5780] =	vst v0  }
.LBB2_11:
0x149: {  	p0 =	sne.s32 s7, $0x3C0;
	v0 =	vld [tilespmem:s6+$0x5780];
	_ =	sdelay $0x4  }
0x14a: {  	(xrf0) =	vadd.scan.msk.s32 $0xffff, v0;
	_ =	sdelay $0x5  }
.Ltmp5:
0x14b: {  	v1, _, _ =	vpop (xrf0);
	s8 =	spop (v2sf);
	(pc) =	sbr.rel @p0 .LBB2_11-.Ltmp5, $4  }
0x14c: {  	(v2sf) =	vpush v1, $0xF;
	s5 =	sadd.s32 s5, s8  }
0x14d: {  	v0 =	vsub.s32 s5, v0  }
0x14e: {  	v0 =	vadd.s32 v1, v0  }
0x14f: {  	[tilespmem:s6+$0x5780] =	vst v0;
	s6 =	sshra.s32 s7, $0x2;
	s7 =	sadd.s32 $0x40, s7  }
0x150: {  	_ =	sdelay $0x1  }
0x151: {  	v0 =	vld [tilespmem:s6+$0x5780];
	_ =	sdelay $0x4  }
0x152: {  	(xrf0) =	vadd.scan.msk.s32 $0xffff, v0;
	_ =	sdelay $0x3  }
0x153: {  	s7 =	spop (v2sf)  }
0x154: {  	s5 =	sadd.s32 s5, s7  }
0x155: {  	v1, _, _ =	vpop (xrf0);
	v0 =	vsub.s32 s5, v0  }
0x156: {  	v0 =	vadd.s32 v1, v0  }
0x157: {  	s25 =	simm.s32 $0x2020;
	[tilespmem:s6+$0x5780] =	vst v0  }
0x158: {  	v0 =	vld [tilespmem:s25+$0x10];
	_ =	sdelay $0x1  }
0x159: {  	v2 =	vld [tilespmem:s25+$0xFFFFFFF0]  }
0x15a: {  	v3 =	vld [tilespmem:s25+$0x0]  }
0x15b: {  	v4 =	vld [tilespmem:s25+$0xFFFFFFE0]  }
0x15c: {  	(xrf0) =	vadd.scan.msk.s32 $0xffff, v0;
	_ =	sdelay $0x1  }
0x15d: {  	s26 =	simm.s32 $0x5782;
	(xrf0) =	vadd.scan.msk.s32 $0xffff, v2  }
0x15e: {  	v5 =	vld.msk [tilespmem:s26+$0x1 ss:$0x0], $0xffff;
	(xrf0) =	vadd.scan.msk.s32 $0xffff, v3  }
0x15f: {  	(xrf0) =	vadd.scan.msk.s32 $0xffff, v4  }
0x160: {  	v6 =	vld.msk [tilespmem:s26+$0xFFFFFFFE ss:$0x0], $0xffff  }
0x161: {  	s8 =	simm.s32 $0x20;
	v8 =	vld.msk [tilespmem:s26+$0xFFFFFFFF ss:$0x0], $0xffff;
	v7, _, _ =	vpop (xrf0)  }
0x162: {  	s9 =	simm.s32 $0x2060;
	v10 =	vld [tilespmem:s8+$0x10];
	vm3 =	veq.s32 v0, $0x1;
	v0 =	vsub.s32 v7, v0  }
0x163: {  	v13 =	vld [tilespmem:s9+$0x10];
	v9, _, _ =	vpop (xrf0);
	v5 =	vadd.s32 v5, v0  }
0x164: {  	v15 =	vld [tilespmem:s9+$0x0];
	v11, _, _ =	vpop (xrf0)  }
0x165: {  	(v2sf) =	vpush v1, $0xF;
	vm0 =	veq.s32 v4, $0x1;
	v7 =	vld.msk [tilespmem:s26+$0x0 ss:$0x0], $0xffff;
	v12, _, _ =	vpop (xrf0)  }
0x166: {  	s28 =	simm.s32 $0x30;
	v1 =	vlaneseq.u32;
	vm8 =	vmmov vm0;
	v4 =	vsub.s32 v12, v4;
	v12 =	vld [tilespmem:s9+$0xFFFFFFF0]  }
0x167: {  	s5 =	simm.s32 $0x5280;
	v14 =	vor.u32 s28, v1;
	vm0 =	veq.s32 v2, $0x1;
	v0 =	vld [tilespmem:s8+$0xFFFFFFE0];
	v4 =	vadd.s32 v6, v4  }
0x168: {  	vm1 =	vmmov vm0;
	v2 =	vsub.s32 v9, v2;
	[tilespmem:v5+s5+$0x0] =	vst.idx.msk vm3, v14;
	v14 =	vld [tilespmem:s9+$0xFFFFFFE0]  }
0x169: {  	s6 =	simm.s32 $0x5500;
	vm2 =	veq.s32 v3, $0x1;
	(xrf0) =	vadd.scan.msk.s32 $0xffff, v13;
	v3 =	vsub.s32 v11, v3;
	v6 =	vadd.s32 v8, v2;
	v2 =	vld [tilespmem:s8+$0x0]  }
0x16a: {  	s29 =	simm.s32 $0x0;
	s7 =	simm.s32 $0x4000;
	v7 =	vadd.s32 v7, v3;
	v3 =	vld [tilespmem:s8+$0xFFFFFFF0];
	[tilespmem:v5+s6+$0x0] =	vst.idx.msk vm3, v10  }
0x16b: {  	s10 =	simm.s32 $0x20;
	vm0 =	vmmov vm2;
	s9 =	simm.s32 $0x5786;
	v16 =	vld.idx.msk [tilespmem:v5+s7+$0x0], vm3;
	v5 =	vor.u32 s29, v1;
	(xrf0) =	vadd.scan.msk.s32 $0xffff, v12  }
0x16c: {  	s30 =	simm.s32 $0x10;
	v8 =	vor.u32 s10, v1;
	v17 =	vld.msk [tilespmem:s9+$0x1 ss:$0x0], $0xffff;
	[tilespmem:v4+s5+$0x0] =	vst.idx.msk vm8, v5;
	(xrf0) =	vadd.scan.msk.s32 $0xffff, v15  }
0x16d: {  	v9 =	vld.msk [tilespmem:s9+$0xFFFFFFFE ss:$0x0], $0xffff;
	v5 =	vor.u32 s30, v1;
	[tilespmem:v4+s6+$0x0] =	vst.idx.msk vm8, v0;
	(xrf0) =	vadd.scan.msk.s32 $0xffff, v14  }
0x16e: {  	vm6 =	veq.s32 v15, $0x1;
	v18 =	vld.msk [tilespmem:s9+$0xFFFFFFFF ss:$0x0], $0xffff;
	vm7 =	veq.s32 v12, $0x1;
	[tilespmem:v6+s5+$0x0] =	vst.idx.msk vm1, v5  }
0x16f: {  	vm5 =	vmmov vm6;
	vm11 =	vmmov vm8;
	v11 =	vld.msk [tilespmem:s9+$0x0 ss:$0x0], $0xffff;
	vm4 =	vmmov vm7;
	[tilespmem:v7+s5+$0x0] =	vst.idx.msk vm2, v8;
	v8, _, _ =	vpop (xrf0)  }
0x170: {  	vm10 =	veq.s32 v14, $0x1;
	[tilespmem:v6+s6+$0x0] =	vst.idx.msk vm1, v3;
	v5 =	vld.idx.msk [tilespmem:v4+s7+$0x0], vm8;
	v4 =	vsub.s32 v8, v13;
	vm9 =	vne.s32 v16, $0xFFFFFFFF  }
0x171: {  	[tilespmem:v7+s6+$0x0] =	vst.idx.msk vm0, v2;
	vm8 =	vmmov vm6;
	v8 =	vld.idx.msk [tilespmem:v6+s7+$0x0], vm1;
	vm12 =	vmand vm3, vm9;
	vm3 =	veq.s32 v13, $0x1;
	v13, _, _ =	vpop (xrf0)  }
0x172: {  	s11 =	simm.s32 $0x60;
	vm2 =	vmmov vm10;
	v6 =	vld.idx.msk [tilespmem:v7+s7+$0x0], vm0;
	v62, _, _ =	vpop (xrf0);
	v7 =	vsub.s32 v13, v12;
	v12 =	vadd.s32 v17, v4  }
0x173: {  	s13 =	simm.s32 $0x4;
	s14 =	simm.s32 $0x20A0;
	s8 =	simm.s32 $0x42A0;
	vm10 =	vmmov vm10;
	vm9 =	vmmov vm7;
	v10 =	vsel vm12, v16, v10;
	v4 =	vld [tilespmem:s11+$0x10];
	v63, _, _ =	vpop (xrf0)  }
0x174: {  	s12 =	simm.s32 $0x40;
	s31 =	spop (v2sf);
	s10 =	simm.s32 $0x42A0;
	[tilespmem:s8+$0x10] =	vst v10;
	v13 =	vsub.s32 v62, v15;
	v10 =	vld [tilespmem:s11+$0xFFFFFFE0];
	v7 =	vadd.s32 v18, v7;
	v14 =	vsub.s32 v63, v14  }
.LBB2_13:
0x175: {  	v15 =	vld [tilespmem:s14+$0x10];
	v14 =	vadd.s32 v9, v14;
	v9 =	vor.u32 s12, v1;
	s15 =	sadd.s32 $0x10, s12;
	s16 =	sadd.s32 $0x20, s12;
	v13 =	vadd.s32 v11, v13;
	s17 =	sadd.s32 $0x30, s12  }
0x176: {  	s13 =	sadd.s32 $0x4, s13;
	v16 =	vld [tilespmem:s14+$0xFFFFFFF0];
	v11 =	vor.u32 s15, v1;
	v17 =	vor.u32 s16, v1;
	v18 =	vor.u32 s17, v1  }
0x177: {  	vm12 =	vne.s32 v5, $0xFFFFFFFF;
	p0 =	slt.u32 s13, $0xFC;
	vm13 =	vne.s32 v8, $0xFFFFFFFF;
	v19 =	vld [tilespmem:s14+$0x0];
	[tilespmem:v12+s5+$0x0] =	vst.idx.msk vm3, v18  }
0x178: {  	vm11 =	vmand vm11, vm12;
	vm1 =	vmand vm1, vm13;
	vm12 =	vne.s32 v6, $0xFFFFFFFF;
	v18 =	vld [tilespmem:s14+$0xFFFFFFE0];
	[tilespmem:v12+s6+$0x0] =	vst.idx.msk vm3, v4  }
0x179: {  	v5 =	vsel vm11, v5, v0;
	v20 =	vsel vm1, v8, v3;
	vm0 =	vmand vm0, vm12;
	v12 =	vld.idx.msk [tilespmem:v12+s7+$0x0], vm3;
	v0 =	vmovc v10  }
0x17a: {  	vm1 =	vmmov vm7;
	v10 =	vsel vm0, v6, v2;
	(xrf0) =	vadd.scan.msk.s32 $0xffff, v15;
	[tilespmem:v14+s5+$0x0] =	vst.idx.msk vm2, v9;
	v3 =	vld [tilespmem:s11+$0xFFFFFFF0]  }
0x17b: {  	s9 =	sadd.s32 $0x4, s9;
	vm0 =	vmmov vm6;
	vm7 =	veq.s32 v16, $0x1;
	(xrf0) =	vadd.scan.msk.s32 $0xffff, v16;
	[tilespmem:v14+s6+$0x0] =	vst.idx.msk vm2, v0;
	v2 =	vld [tilespmem:s11+$0x0]  }
0x17c: {  	vm6 =	veq.s32 v19, $0x1;
	v6 =	vld.msk [tilespmem:s9+$0x1 ss:$0x0], $0xffff;
	(xrf0) =	vadd.scan.msk.s32 $0xffff, v19;
	[tilespmem:v7+s5+$0x0] =	vst.idx.msk vm4, v11;
	vm4 =	vmmov vm7  }
0x17d: {  	vm12 =	veq.s32 v18, $0x1;
	v9 =	vld.msk [tilespmem:s9+$0xFFFFFFFE ss:$0x0], $0xffff;
	(xrf0) =	vadd.scan.msk.s32 $0xffff, v18;
	[tilespmem:v13+s5+$0x0] =	vst.idx.msk vm5, v17;
	vm5 =	vmmov vm6  }
0x17e: {  	vm11 =	vmmov vm2;
	v17 =	vld.msk [tilespmem:s9+$0xFFFFFFFF ss:$0x0], $0xffff;
	[tilespmem:s8+$0xFFFFFFE0] =	vst v5;
	vm2 =	vmmov vm12  }
0x17f: {  	vm13 =	vne.s32 v12, $0xFFFFFFFF;
	v11 =	vld.msk [tilespmem:s9+$0x0 ss:$0x0], $0xffff;
	[tilespmem:v7+s6+$0x0] =	vst.idx.msk vm9, v3;
	vm9 =	vmmov vm7  }
.Ltmp6:
0x180: {  	vm13 =	vmand vm3, vm13;
	v8, _, _ =	vpop (xrf0);
	v5 =	vld.idx.msk [tilespmem:v14+s7+$0x0], vm10;
	[tilespmem:v13+s6+$0x0] =	vst.idx.msk vm8, v2;
	vm8 =	vmmov vm6;
	vm10 =	vmmov vm12;
	(pc) =	sbr.rel @p0 .LBB2_13-.Ltmp6, $4  }
0x181: {  	s8 =	sadd.s32 $0x40, s8;
	vm3 =	veq.s32 v15, $0x1;
	v4 =	vsel vm13, v12, v4;
	v21 =	vsub.s32 v8, v15;
	v15, _, _ =	vpop (xrf0);
	v8 =	vld.idx.msk [tilespmem:v7+s7+$0x0], vm1;
	[tilespmem:s10+$0xFFFFFFF0] =	vst v20  }
0x182: {  	s11 =	sadd.s32 $0x40, s11;
	v7 =	vsub.s32 v15, v16;
	v12 =	vadd.s32 v6, v21;
	v14, _, _ =	vpop (xrf0);
	v6 =	vld.idx.msk [tilespmem:v13+s7+$0x0], vm0;
	[tilespmem:s8+$0x10] =	vst v4  }
0x183: {  	v13 =	vsub.s32 v14, v19;
	v4 =	vld [tilespmem:s11+$0x10];
	v14, _, _ =	vpop (xrf0);
	[tilespmem:s10+$0x0] =	vst v10;
	s10 =	smov.u32 s8  }
0x184: {  	s12 =	sadd.s32 $0x40, s12;
	s14 =	sadd.s32 $0x40, s14;
	v7 =	vadd.s32 v17, v7;
	v14 =	vsub.s32 v14, v18;
	v10 =	vld [tilespmem:s11+$0xFFFFFFE0]  }
0x185: {  	_ =	sdelay $0x2  }
0x186: {  	v9 =	vadd.s32 v9, v14;
	s9 =	sadd.s32 $0x30, s12  }
0x187: {  	v11 =	vadd.s32 v11, v13;
	s22 =	sadd.s32 $0x10, s12;
	v53 =	vor.u32 s9, v1  }
0x188: {  	v55 =	vld [tilespmem:s11+$0xFFFFFFF0];
	vm7 =	vmmov vm7;
	v15 =	vor.u32 s22, v1;
	[tilespmem:v12+s5+$0x0] =	vst.idx.msk vm3, v53  }
0x189: {  	[tilespmem:v7+s5+$0x0] =	vst.idx.msk vm4, v15  }
0x18a: {  	v54 =	vor.u32 s12, v1;
	v56 =	vld [tilespmem:s11+$0x0];
	vm6 =	vmmov vm6;
	s23 =	sadd.s32 $0x20, s12;
	[tilespmem:v12+s6+$0x0] =	vst.idx.msk vm3, v4  }
0x18b: {  	v57 =	vor.u32 s23, v1;
	[tilespmem:v9+s5+$0x0] =	vst.idx.msk vm2, v54  }
0x18c: {  	[tilespmem:v11+s5+$0x0] =	vst.idx.msk vm5, v57  }
0x18d: {  	v12 =	vld.idx.msk [tilespmem:v12+s7+$0x0], vm3;
	[tilespmem:v7+s6+$0x0] =	vst.idx.msk vm9, v55  }
0x18e: {  	[tilespmem:v9+s6+$0x0] =	vst.idx.msk vm2, v10;
	v7 =	vld.idx.msk [tilespmem:v7+s7+$0x0], vm7  }
0x18f: {  	vm14 =	vne.s32 v5, $0xFFFFFFFF;
	vm15 =	vne.s32 v8, $0xFFFFFFFF;
	[tilespmem:v11+s6+$0x0] =	vst.idx.msk vm8, v56;
	v58 =	vld.idx.msk [tilespmem:v9+s7+$0x0], vm10  }
0x190: {  	vm4 =	vmand vm11, vm14;
	vm1 =	vmand vm1, vm15;
	v59 =	vld.idx.msk [tilespmem:v11+s7+$0x0], vm6  }
0x191: {  	vm11 =	vmmov vm2;
	v0 =	vsel vm4, v5, v0;
	vm8 =	vne.s32 v6, $0xFFFFFFFF  }
0x192: {  	v3 =	vsel vm1, v8, v3;
	[tilespmem:s8+$0xFFFFFFE0] =	vst v0;
	vm0 =	vmand vm0, vm8;
	vm9 =	vne.s32 v12, $0xFFFFFFFF  }
0x193: {  	[tilespmem:s10+$0xFFFFFFF0] =	vst v3;
	v2 =	vsel vm0, v6, v2;
	vm10 =	vmand vm3, vm9;
	vm13 =	vne.s32 v7, $0xFFFFFFFF  }
0x194: {  	s24 =	sadd.s32 $0x40, s8;
	[tilespmem:s10+$0x0] =	vst v2;
	v60 =	vsel vm10, v12, v4;
	vm12 =	vne.s32 v58, $0xFFFFFFFF;
	vm0 =	vmand vm7, vm13  }
0x195: {  	[tilespmem:s24+$0x10] =	vst v60;
	vm14 =	vne.s32 v59, $0xFFFFFFFF;
	vm1 =	vmand vm11, vm12;
	v62 =	vsel vm0, v7, v55  }
0x196: {  	vm15 =	vmand vm6, vm14;
	v61 =	vsel vm1, v58, v10;
	[tilespmem:s24+$0xFFFFFFF0] =	vst v62  }
0x197: {  	s25 =	simm.s32 $0x80;
	v63 =	vsel vm15, v59, v56;
	[tilespmem:s24+$0xFFFFFFE0] =	vst v61  }
0x198: {  	s26 =	simm.s32 $0x400;
	s28 =	simm.s32 $0x4280;
	s29 =	simm.s32 $0x1;
	[tilespmem:s24+$0x0] =	vst v63  }
0x199: {  	[hbm4b:s4+s25] =	stream.strided.scatter [tilespmem:s28], [sflag:$0x1], $0x1000, s26, s25, $0x38;
	[tilespmem:$0x5980] =	vst v63  }
0x19a: {  	_ =	swait.ge [sflag:s29], $0x1000  }
0x19b: {  	[sflag:s29] =	ssyncset.done $0x0  }
0x19c: {  	s30 =	simm.s32 $0x5280;
	[sflag:s29] =	ssyncadd.s32 $0xFFFFF000  }
0x19d: {  	[hbm4b:s3+s25] =	stream.strided.scatter [tilespmem:s30], [sflag:$0x1], $0x280, s26, s25, $0x38;
	[tilespmem:$0x5980] =	vst v63  }
0x19e: {  	_ =	swait.ge [sflag:s29], $0x280  }
0x19f: {  	[sflag:s29] =	ssyncset.done $0x0  }
0x1a0: {  	s31 =	simm.s32 $0x5500;
	[sflag:s29] =	ssyncadd.s32 $0xFFFFFD80  }
0x1a1: {  	[hbm4b:s2+s25] =	stream.strided.scatter [tilespmem:s31], [sflag:$0x1], $0x280, s26, s25, $0x38;
	[tilespmem:$0x5980] =	vst v63  }
0x1a2: {  	_ =	swait.ge [sflag:s29], $0x280  }
0x1a3: {  	[sflag:s29] =	ssyncset.done $0x0  }
0x1a4: {  	[sflag:s29] =	ssyncadd.s32 $0xFFFFFD80  }
0x1a5: {  	_ =	sfence.sel $0x180000  }
0x1a6: {  	[bflag:$0x0] =	sbarrier.arrive $0xFFFF  }
0x1a7: {  	p0 =	sne.s32 s1, $0x0;
	_ =	strace $0x90000047  }
0x1a8: {  	s0 =	sadd.s32 @!p0 $0x100000, s0;
	[bflag:$0x2] =	sbarrier.arrive $0xFFFF  }
0x1a9: {  	[sflag:s0] =	ssyncadd.tile.s32 @!p0 $0x1;
	_ =	shalt  }
.Lfunc_end2:
_tile_overlayer_lowered:
.L_overlay_start_2:
0x1aa: {  	(tag) =	ssettag $0x2  }
0x1ab: {  	s0 =	rddreg [dreg:$0x0];
	s2 =	stileid.u32  }
0x1ac: {  	s1 =	rddreg [dreg:$0x1];
	p0 =	sne.s32 s2, $0x0  }
0x1ad: {  	s3 =	rddreg [dreg:$0x2];
	[bflag:$0x3] =	sbarrier.arrive $0xFFFF;
	s2 =	simm.s32 @!p0 $0x1C01  }
0x1ae: {  	[timem:s3], [sflag:s2] =	dma.local @!p0 [hbm:s0], s1  }
0x1af: {  	s0 =	simm.s32 @!p0 $0x1  }
0x1b0: {  	_ =	swait.ge @!p0 [sflag:s0], s1  }
0x1b1: {  	s1 =	ssub.s32 @!p0 $0x0, s1;
	[sflag:s0] =	ssyncset.done @!p0 $0x0  }
0x1b2: {  	[sflag:s0] =	ssyncadd.s32 @!p0 s1  }
0x1b3: {  	[bflag:$0x3] =	sbarrier.arrive $0xFFFF  }
0x1b4: {  	_ =	shalt  }

</sc_bundles>
